<compile_context>
chip_gen: v7x
topology: tpu7x:2x2x1
jax: 0.10.2.dev20260603
libtpu: 0.0.44.dev20260713+nightly
codegen_flags: <defaults>
</compile_context>

<pallas_src>
import functools

import jax
import jax.numpy as jnp
from jax import lax
from jax.experimental import pallas as pl
from jax.experimental.pallas import tpu as pltpu
from jax.experimental.pallas import tpu_sc as plsc

N = 10000
D = 128
BM = 400
GRID_M = N // BM
NPAD = 10400
PBLK = NPAD // BM
CH = 128
NSUB = 16
NW = 2 * NSUB
RSL = 632
RSLW = 656


def _bf16_dot(a, b):
    return jnp.dot(a.astype(jnp.bfloat16), b.astype(jnp.bfloat16),
                   preferred_element_type=jnp.float32)


def _mm0_body(x_ref, w_ref, y_ref):
    y_ref[...] = jnp.dot(x_ref[...], w_ref[...].astype(jnp.float32),
                         preferred_element_type=jnp.float32,
                         precision=lax.Precision.HIGHEST)


def _matmul0(x, w):
    kin = x.shape[1]
    return pl.pallas_call(
        _mm0_body,
        grid=(GRID_M,),
        in_specs=[
            pl.BlockSpec((BM, kin), lambda i: (i, 0)),
            pl.BlockSpec((kin, D), lambda i: (0, 0)),
        ],
        out_specs=pl.BlockSpec((BM, D), lambda i: (i, 0)),
        out_shape=jax.ShapeDtypeStruct((N, D), jnp.float32),
    )(x, w)


def _sc_segsum(z, src3, dst3):
    nch = src3.shape[1]
    mesh = plsc.VectorSubcoreMesh(core_axis_name="c", subcore_axis_name="s")

    @functools.partial(
        pl.kernel,
        out_type=jax.ShapeDtypeStruct((2 * NPAD, D), jnp.float32),
        mesh=mesh,
        scratch_types=[
            pltpu.VMEM((nch, CH), jnp.int32),
            pltpu.VMEM((nch, CH), jnp.int32),
            pltpu.VMEM((CH, D), jnp.float32),
            pltpu.VMEM((CH, D), jnp.float32),
            pltpu.VMEM_SHARED((NPAD, D), jnp.float32),
            pltpu.SemaphoreType.DMA,
            pltpu.SemaphoreType.DMA,
        ],
    )
    def k(z_hbm, src_hbm, dst_hbm, p_hbm, src_v, dst_v,
          rows_v0, rows_v1, acc_sh, sem0, sem1):
        c = lax.axis_index("c")
        s = lax.axis_index("s")
        w = c * NSUB + s

        ist = pl.multiple_of(jnp.minimum(s * RSL, N - RSL), 8)
        pltpu.sync_copy(z_hbm.at[pl.ds(ist, RSL)],
                        acc_sh.at[pl.ds(ist, RSL)])
        pltpu.sync_copy(src_hbm.at[w], src_v)
        pltpu.sync_copy(dst_hbm.at[w], dst_v)
        plsc.subcore_barrier()

        bufs = (rows_v0, rows_v1)
        sems = (sem0, sem1)
        pltpu.async_copy(z_hbm.at[src_v.at[0]], rows_v0, sem0)
        pltpu.async_copy(z_hbm.at[src_v.at[1]], rows_v1, sem1)

        @pl.loop(0, nch, step=2)
        def _(j):
            for b in range(2):
                pltpu.make_async_copy(z_hbm.at[src_v.at[j + b]],
                                      bufs[b], sems[b]).wait()
                pltpu.sync_copy(bufs[b], acc_sh.at[dst_v.at[j + b]], add=True)

                @pl.when(j + b + 2 < nch)
                def _():
                    pltpu.async_copy(z_hbm.at[src_v.at[j + b + 2]],
                                     bufs[b], sems[b])

        plsc.subcore_barrier()
        wst = pl.multiple_of(jnp.minimum(s * RSLW, NPAD - RSLW), 8)
        off = pl.multiple_of(c * NPAD + wst, 8)
        pltpu.sync_copy(acc_sh.at[pl.ds(wst, RSLW)], p_hbm.at[pl.ds(off, RSLW)])

    return k(z, src3, dst3)


def _mlp0_body(p0_ref, p1_ref, z_ref, ba_ref, wb_ref, bb_ref,
               r_ref, s1_ref, s2_ref):
    i = pl.program_id(0)
    a = p0_ref[...] + p1_ref[...] - z_ref[...]
    m = jnp.maximum(a + ba_ref[...], 0.0)
    t = _bf16_dot(m, wb_ref[...]) + bb_ref[...]
    r = jnp.maximum(t, 0.0)
    r_ref[...] = r

    @pl.when(i == 0)
    def _():
        s1_ref[...] = jnp.zeros_like(s1_ref)
        s2_ref[...] = jnp.zeros_like(s2_ref)

    s1_ref[...] += jnp.sum(r, axis=0, keepdims=True)
    s2_ref[...] += jnp.sum(r * r, axis=0, keepdims=True)


def _mlp_body(p0_ref, p1_ref, z_ref, wa_ref, ba_ref, wb_ref, bb_ref,
              r_ref, s1_ref, s2_ref):
    i = pl.program_id(0)
    a = p0_ref[...] + p1_ref[...] - z_ref[...]
    m = _bf16_dot(a, wa_ref[...])
    m = jnp.maximum(m + ba_ref[...], 0.0)
    t = _bf16_dot(m, wb_ref[...]) + bb_ref[...]
    r = jnp.maximum(t, 0.0)
    r_ref[...] = r

    @pl.when(i == 0)
    def _():
        s1_ref[...] = jnp.zeros_like(s1_ref)
        s2_ref[...] = jnp.zeros_like(s2_ref)

    s1_ref[...] += jnp.sum(r, axis=0, keepdims=True)
    s2_ref[...] += jnp.sum(r * r, axis=0, keepdims=True)


_ROW_SPEC = pl.BlockSpec((BM, D), lambda i: (i, 0))
_P0_SPEC = pl.BlockSpec((BM, D), lambda i: (i, 0))
_P1_SPEC = pl.BlockSpec((BM, D), lambda i: (i + PBLK, 0))
_VEC_SPEC = pl.BlockSpec((1, D), lambda i: (0, 0))
_MAT_SPEC = pl.BlockSpec((D, D), lambda i: (0, 0))
_STAT_OUT = [
    pl.BlockSpec((BM, D), lambda i: (i, 0)),
    pl.BlockSpec((1, D), lambda i: (0, 0)),
    pl.BlockSpec((1, D), lambda i: (0, 0)),
]
_STAT_SHAPE = [
    jax.ShapeDtypeStruct((N, D), jnp.float32),
    jax.ShapeDtypeStruct((1, D), jnp.float32),
    jax.ShapeDtypeStruct((1, D), jnp.float32),
]


def _layer_mlp0(p, z, ba, wb, bb):
    return pl.pallas_call(
        _mlp0_body,
        grid=(GRID_M,),
        in_specs=[_P0_SPEC, _P1_SPEC, _ROW_SPEC, _VEC_SPEC, _MAT_SPEC,
                  _VEC_SPEC],
        out_specs=_STAT_OUT,
        out_shape=_STAT_SHAPE,
    )(p, p, z, ba.reshape(1, D), wb, bb.reshape(1, D))


def _layer_mlp(p, z, wa, ba, wb, bb):
    return pl.pallas_call(
        _mlp_body,
        grid=(GRID_M,),
        in_specs=[_P0_SPEC, _P1_SPEC, _ROW_SPEC, _MAT_SPEC, _VEC_SPEC,
                  _MAT_SPEC, _VEC_SPEC],
        out_specs=_STAT_OUT,
        out_shape=_STAT_SHAPE,
    )(p, p, z, wa, ba.reshape(1, D), wb, bb.reshape(1, D))


def _bn_body(r_ref, s1_ref, s2_ref, g_ref, b_ref, h_ref):
    mu = s1_ref[...] * (1.0 / N)
    var = s2_ref[...] * (1.0 / N) - mu * mu
    scale = lax.rsqrt(var + 1e-5) * g_ref[...]
    h_ref[...] = (r_ref[...] - mu) * scale + b_ref[...]


def _bn_only(r, s1, s2, g, beta):
    return pl.pallas_call(
        _bn_body,
        grid=(GRID_M,),
        in_specs=[_ROW_SPEC, _VEC_SPEC, _VEC_SPEC, _VEC_SPEC, _VEC_SPEC],
        out_specs=pl.BlockSpec((BM, D), lambda i: (i, 0)),
        out_shape=jax.ShapeDtypeStruct((N, D), jnp.float32),
    )(r, s1, s2, g.reshape(1, D), beta.reshape(1, D))


def kernel(x, edge_index, batch, Wa0, ba0, Wb0, bb0, g0, beta0,
           Wa1, ba1, Wb1, bb1, g1, beta1, Wa2, ba2, Wb2, bb2, g2, beta2):
    src = edge_index[0]
    dst = edge_index[1]
    e = src.shape[0]
    n_per_w = -(-e // (NW * CH)) * CH
    pad = NW * n_per_w - e
    src_p = jnp.concatenate([src, jnp.zeros((pad,), jnp.int32)])
    dst_p = jnp.concatenate([dst, jnp.full((pad,), N, jnp.int32)])
    src3 = src_p.reshape(NW, n_per_w // CH, CH)
    dst3 = dst_p.reshape(NW, n_per_w // CH, CH)

    y0 = _matmul0(x, Wa0.astype(jnp.bfloat16))
    p = _sc_segsum(y0, src3, dst3)
    r, s1, s2 = _layer_mlp0(p, y0, ba0, Wb0, bb0)
    h = _bn_only(r, s1, s2, g0, beta0)
    outs = [h]

    for wa, ba, wb, bb, g, beta in ((Wa1, ba1, Wb1, bb1, g1, beta1),
                                    (Wa2, ba2, Wb2, bb2, g2, beta2)):
        p = _sc_segsum(h, src3, dst3)
        r, s1, s2 = _layer_mlp(p, h, wa, ba, wb, bb)
        h = _bn_only(r, s1, s2, g, beta)
        outs.append(h)

    rep = jnp.concatenate(outs, axis=1)
    return rep[::7]

# --- scband reference (transcript-rebuilt; emitter-appended) ---
"""Pipeline reference for scband-drug-graph-module-49718541419112 (READ-ONLY COPY).

The authoritative reference and input builder live on the scoring server;
editing this copy changes nothing except your own understanding.
"""

import jax, jax.numpy as jnp
import numpy as np

N = 10000
E = 160000
D_IN = 5181
D = 128
L = 3
N_GRAPHS = 1429


def setup_inputs(seed: int = 0) -> dict:
    key = jax.random.key(seed)
    ks = jax.random.split(key, 16)
    inp = {}
    inp["x"] = jax.random.normal(ks[0], (N, D_IN), dtype=jnp.float32)
    inp["edge_index"] = jax.random.randint(ks[1], (2, E), 0, N, dtype=jnp.int32)
    inp["batch"] = jnp.sort(jax.random.randint(ks[2], (N,), 0, N_GRAPHS, dtype=jnp.int32))
    dims = [D_IN, D, D]
    k = 3
    for i in range(L):
        din = dims[i]
        inp[f"Wa{i}"] = jax.random.normal(ks[k], (din, D), dtype=jnp.float32) * (1.0 / float(np.sqrt(din))); k += 1
        inp[f"ba{i}"] = jnp.zeros((D,), dtype=jnp.float32)
        inp[f"Wb{i}"] = jax.random.normal(ks[k], (D, D), dtype=jnp.float32) * (1.0 / float(np.sqrt(D))); k += 1
        inp[f"bb{i}"] = jnp.zeros((D,), dtype=jnp.float32)
        inp[f"g{i}"] = jnp.ones((D,), dtype=jnp.float32)
        inp[f"beta{i}"] = jnp.zeros((D,), dtype=jnp.float32)
    return inp


def _gin_forward(x, edge_index, params):
    # GINConv (eps=0): out = MLP(x_dst + sum_{src->dst} x_src); then ReLU then BatchNorm1d (training-mode batch stats)
    src = edge_index[0]
    dst = edge_index[1]
    h = x
    outs = []
    for (Wa, ba, Wb, bb, g, beta) in params:
        agg = jax.ops.segment_sum(h[src], dst, num_segments=h.shape[0])
        m = h + agg
        m = jax.nn.relu(m @ Wa + ba)
        m = m @ Wb + bb
        m = jax.nn.relu(m)  # F.relu(conv(...))
        mu = jnp.mean(m, axis=0)
        var = jnp.var(m, axis=0)  # biased, matches torch BN normalization
        m = (m - mu) / jnp.sqrt(var + 1e-5) * g + beta
        h = m
        outs.append(h)
    node_representation = jnp.concatenate(outs, axis=1)  # JumpingKnowledge('cat')
    idx = jnp.arange(0, node_representation.shape[0], 7)
    return node_representation[idx]


def reference(x, edge_index, batch, Wa0, ba0, Wb0, bb0, g0, beta0, Wa1, ba1, Wb1, bb1, g1, beta1, Wa2, ba2, Wb2, bb2, g2, beta2):
    params = [
        (Wa0, ba0, Wb0, bb0, g0, beta0),
        (Wa1, ba1, Wb1, bb1, g1, beta1),
        (Wa2, ba2, Wb2, bb2, g2, beta2),
    ]
    return _gin_forward(x, edge_index, params)

if __name__ == "__main__":
    import jax
    _d = setup_inputs()
    print(jax.jit(kernel)(*tuple(_d.values())))

</pallas_src>

<mosaic_0001>
#map = affine_map<(d0, d1) -> (0, 0)>
#map1 = affine_map<(d0, d1) -> (0, 0, 0)>
module attributes {stable_mosaic.version = 14 : i64} {
  func.func @k(%arg0: i32, %arg1: i32, %arg2: memref<10000x128xf32, #tpu.memory_space<hbm>>, %arg3: memref<32x40x128xi32, #tpu.memory_space<hbm>>, %arg4: memref<32x40x128xi32, #tpu.memory_space<hbm>>, %arg5: memref<20800x128xf32, #tpu.memory_space<hbm>>, %arg6: memref<40x128xi32, #tpu.memory_space<vmem>>, %arg7: memref<40x128xi32, #tpu.memory_space<vmem>>, %arg8: memref<128x128xf32, #tpu.memory_space<vmem>>, %arg9: memref<128x128xf32, #tpu.memory_space<vmem>>, %arg10: memref<10400x128xf32, #tpu.memory_space<vmem_shared>>, %arg11: memref<!tpu.dma_semaphore, #tpu.memory_space<semaphore_mem>>, %arg12: memref<!tpu.dma_semaphore, #tpu.memory_space<semaphore_mem>>) attributes {dimension_semantics = [#tpu.dimension_semantics<core_parallel>, #tpu.dimension_semantics<subcore_parallel>], iteration_bounds = array<i64: 2, 16>, scalar_prefetch = 0 : i64, scratch_operands = 7 : i64, tpu.core_type = #tpu.core_type<sc_vector_subcore>, window_params = [{transform_indices = #map}, {transform_indices = #map1}, {transform_indices = #map1}, {transform_indices = #map}]} {
    %mul3A = arith.constant 16 : i32
    %mul3A_0 = arith.muli %arg0, %mul3A : i32
    %add3A = arith.addi %mul3A_0, %arg1 : i32
    %mul3A_1 = arith.constant 632 : i32
    %mul3A_2 = arith.muli %arg1, %mul3A_1 : i32
    %min3A = arith.constant 9368 : i32
    %min3A_3 = arith.minsi %mul3A_2, %min3A : i32
    %multiple_of3A = tpu.assume_multiple %min3A_3, 8 : i32
    "tpu.region"() ({
      %run_scoped3A = tpu.sem_alloc : memref<!tpu.dma_semaphore, #tpu.memory_space<semaphore_mem>>
      %dma_start3A_31 = arith.constant 0 : i32
      %dma_start3A_32 = tpu.memref_slice %arg10[%multiple_of3A, %dma_start3A_31] : memref<10400x128xf32, #tpu.memory_space<vmem_shared>> -> memref<632x128xf32, #tpu.memory_space<vmem_shared>>
      %dma_start3A_33 = arith.constant 0 : i32
      %dma_start3A_34 = tpu.memref_slice %arg2[%multiple_of3A, %dma_start3A_33] : memref<10000x128xf32, #tpu.memory_space<hbm>> -> memref<632x128xf32, #tpu.memory_space<hbm>>
      tpu.enqueue_dma source(%dma_start3A_34 : memref<632x128xf32, #tpu.memory_space<hbm>>) target(%dma_start3A_32 : memref<632x128xf32, #tpu.memory_space<vmem_shared>>) target_semaphore(%run_scoped3A : memref<!tpu.dma_semaphore, #tpu.memory_space<semaphore_mem>>)
      %dma_wait3A = arith.constant 0 : i32
      %dma_wait3A_35 = tpu.memref_slice %arg10[%multiple_of3A, %dma_wait3A] : memref<10400x128xf32, #tpu.memory_space<vmem_shared>> -> memref<632x128xf32, #tpu.memory_space<vmem_shared>>
      %dma_wait3A_36 = arith.constant 0 : i32
      %dma_wait3A_37 = tpu.memref_slice %arg2[%multiple_of3A, %dma_wait3A_36] : memref<10000x128xf32, #tpu.memory_space<hbm>> -> memref<632x128xf32, #tpu.memory_space<hbm>>
      tpu.wait_dma2 semaphore(%run_scoped3A : memref<!tpu.dma_semaphore, #tpu.memory_space<semaphore_mem>>) src(%dma_wait3A_37 : memref<632x128xf32, #tpu.memory_space<hbm>>) dst(%dma_wait3A_35 : memref<632x128xf32, #tpu.memory_space<vmem_shared>>)
      tpu.yield
    }) : () -> ()
    "tpu.region"() ({
      %run_scoped3A = tpu.sem_alloc : memref<!tpu.dma_semaphore, #tpu.memory_space<semaphore_mem>>
      %dma_start3A_31 = arith.constant 0 : i32
      %dma_start3A_32 = arith.constant 0 : i32
      %dma_start3A_33 = tpu.memref_slice %arg3[%add3A, %dma_start3A_31, %dma_start3A_32] : memref<32x40x128xi32, #tpu.memory_space<hbm>> -> memref<1x40x128xi32, #tpu.memory_space<hbm>>
      %dma_start3A_34 = tpu.memref_squeeze %dma_start3A_33 : memref<1x40x128xi32, #tpu.memory_space<hbm>> -> memref<40x128xi32, #tpu.memory_space<hbm>>
      %dma_start3A_35 = arith.constant 0 : i32
      %dma_start3A_36 = arith.constant 0 : i32
      %dma_start3A_37 = tpu.memref_slice %arg3[%add3A, %dma_start3A_35, %dma_start3A_36] : memref<32x40x128xi32, #tpu.memory_space<hbm>> -> memref<1x40x128xi32, #tpu.memory_space<hbm>>
      %dma_start3A_38 = tpu.memref_squeeze %dma_start3A_37 : memref<1x40x128xi32, #tpu.memory_space<hbm>> -> memref<40x128xi32, #tpu.memory_space<hbm>>
      tpu.enqueue_dma source(%dma_start3A_38 : memref<40x128xi32, #tpu.memory_space<hbm>>) target(%arg6 : memref<40x128xi32, #tpu.memory_space<vmem>>) target_semaphore(%run_scoped3A : memref<!tpu.dma_semaphore, #tpu.memory_space<semaphore_mem>>)
      %dma_wait3A = arith.constant 0 : i32
      %dma_wait3A_39 = arith.constant 0 : i32
      %dma_wait3A_40 = tpu.memref_slice %arg3[%add3A, %dma_wait3A, %dma_wait3A_39] : memref<32x40x128xi32, #tpu.memory_space<hbm>> -> memref<1x40x128xi32, #tpu.memory_space<hbm>>
      %dma_wait3A_41 = tpu.memref_squeeze %dma_wait3A_40 : memref<1x40x128xi32, #tpu.memory_space<hbm>> -> memref<40x128xi32, #tpu.memory_space<hbm>>
      %dma_wait3A_42 = arith.constant 0 : i32
      %dma_wait3A_43 = arith.constant 0 : i32
      %dma_wait3A_44 = tpu.memref_slice %arg3[%add3A, %dma_wait3A_42, %dma_wait3A_43] : memref<32x40x128xi32, #tpu.memory_space<hbm>> -> memref<1x40x128xi32, #tpu.memory_space<hbm>>
      %dma_wait3A_45 = tpu.memref_squeeze %dma_wait3A_44 : memref<1x40x128xi32, #tpu.memory_space<hbm>> -> memref<40x128xi32, #tpu.memory_space<hbm>>
      tpu.wait_dma2 semaphore(%run_scoped3A : memref<!tpu.dma_semaphore, #tpu.memory_space<semaphore_mem>>) src(%dma_wait3A_45 : memref<40x128xi32, #tpu.memory_space<hbm>>) dst(%arg6 : memref<40x128xi32, #tpu.memory_space<vmem>>)
      tpu.yield
    }) : () -> ()
    "tpu.region"() ({
      %run_scoped3A = tpu.sem_alloc : memref<!tpu.dma_semaphore, #tpu.memory_space<semaphore_mem>>
      %dma_start3A_31 = arith.constant 0 : i32
      %dma_start3A_32 = arith.constant 0 : i32
      %dma_start3A_33 = tpu.memref_slice %arg4[%add3A, %dma_start3A_31, %dma_start3A_32] : memref<32x40x128xi32, #tpu.memory_space<hbm>> -> memref<1x40x128xi32, #tpu.memory_space<hbm>>
      %dma_start3A_34 = tpu.memref_squeeze %dma_start3A_33 : memref<1x40x128xi32, #tpu.memory_space<hbm>> -> memref<40x128xi32, #tpu.memory_space<hbm>>
      %dma_start3A_35 = arith.constant 0 : i32
      %dma_start3A_36 = arith.constant 0 : i32
      %dma_start3A_37 = tpu.memref_slice %arg4[%add3A, %dma_start3A_35, %dma_start3A_36] : memref<32x40x128xi32, #tpu.memory_space<hbm>> -> memref<1x40x128xi32, #tpu.memory_space<hbm>>
      %dma_start3A_38 = tpu.memref_squeeze %dma_start3A_37 : memref<1x40x128xi32, #tpu.memory_space<hbm>> -> memref<40x128xi32, #tpu.memory_space<hbm>>
      tpu.enqueue_dma source(%dma_start3A_38 : memref<40x128xi32, #tpu.memory_space<hbm>>) target(%arg7 : memref<40x128xi32, #tpu.memory_space<vmem>>) target_semaphore(%run_scoped3A : memref<!tpu.dma_semaphore, #tpu.memory_space<semaphore_mem>>)
      %dma_wait3A = arith.constant 0 : i32
      %dma_wait3A_39 = arith.constant 0 : i32
      %dma_wait3A_40 = tpu.memref_slice %arg4[%add3A, %dma_wait3A, %dma_wait3A_39] : memref<32x40x128xi32, #tpu.memory_space<hbm>> -> memref<1x40x128xi32, #tpu.memory_space<hbm>>
      %dma_wait3A_41 = tpu.memref_squeeze %dma_wait3A_40 : memref<1x40x128xi32, #tpu.memory_space<hbm>> -> memref<40x128xi32, #tpu.memory_space<hbm>>
      %dma_wait3A_42 = arith.constant 0 : i32
      %dma_wait3A_43 = arith.constant 0 : i32
      %dma_wait3A_44 = tpu.memref_slice %arg4[%add3A, %dma_wait3A_42, %dma_wait3A_43] : memref<32x40x128xi32, #tpu.memory_space<hbm>> -> memref<1x40x128xi32, #tpu.memory_space<hbm>>
      %dma_wait3A_45 = tpu.memref_squeeze %dma_wait3A_44 : memref<1x40x128xi32, #tpu.memory_space<hbm>> -> memref<40x128xi32, #tpu.memory_space<hbm>>
      tpu.wait_dma2 semaphore(%run_scoped3A : memref<!tpu.dma_semaphore, #tpu.memory_space<semaphore_mem>>) src(%dma_wait3A_45 : memref<40x128xi32, #tpu.memory_space<hbm>>) dst(%arg7 : memref<40x128xi32, #tpu.memory_space<vmem>>)
      tpu.yield
    }) : () -> ()
    %barrier3A = arith.constant 0 : index
    tpu.barrier barrier_id(%barrier3A)
    %dma_start3A = arith.constant 0 : i32
    %dma_start3A_4 = arith.constant 0 : i32
    %dma_start3A_5 = tpu.memref_slice %arg6[%dma_start3A, %dma_start3A_4] : memref<40x128xi32, #tpu.memory_space<vmem>> -> memref<1x128xi32, #tpu.memory_space<vmem>>
    %dma_start3A_6 = tpu.memref_squeeze %dma_start3A_5 : memref<1x128xi32, #tpu.memory_space<vmem>> -> memref<128xi32, #tpu.memory_space<vmem>>
    %dma_start3A_7 = arith.constant 0 : i32
    %dma_start3A_8 = arith.constant 0 : i32
    %dma_start3A_9 = tpu.memref_slice %arg2[%dma_start3A_7, %dma_start3A_8] : memref<10000x128xf32, #tpu.memory_space<hbm>> -> memref<10000x128xf32, #tpu.memory_space<hbm>>
    tpu.enqueue_indirect_dma source(%dma_start3A_9 : memref<10000x128xf32, #tpu.memory_space<hbm>>) target(%arg8 : memref<128x128xf32, #tpu.memory_space<vmem>>) offsets(%dma_start3A_6 : memref<128xi32, #tpu.memory_space<vmem>>) semaphore(%arg11 : memref<!tpu.dma_semaphore, #tpu.memory_space<semaphore_mem>>)
    %dma_start3A_10 = arith.constant 1 : i32
    %dma_start3A_11 = arith.constant 0 : i32
    %dma_start3A_12 = tpu.memref_slice %arg6[%dma_start3A_10, %dma_start3A_11] : memref<40x128xi32, #tpu.memory_space<vmem>> -> memref<1x128xi32, #tpu.memory_space<vmem>>
    %dma_start3A_13 = tpu.memref_squeeze %dma_start3A_12 : memref<1x128xi32, #tpu.memory_space<vmem>> -> memref<128xi32, #tpu.memory_space<vmem>>
    %dma_start3A_14 = arith.constant 0 : i32
    %dma_start3A_15 = arith.constant 0 : i32
    %dma_start3A_16 = tpu.memref_slice %arg2[%dma_start3A_14, %dma_start3A_15] : memref<10000x128xf32, #tpu.memory_space<hbm>> -> memref<10000x128xf32, #tpu.memory_space<hbm>>
    tpu.enqueue_indirect_dma source(%dma_start3A_16 : memref<10000x128xf32, #tpu.memory_space<hbm>>) target(%arg9 : memref<128x128xf32, #tpu.memory_space<vmem>>) offsets(%dma_start3A_13 : memref<128xi32, #tpu.memory_space<vmem>>) semaphore(%arg12 : memref<!tpu.dma_semaphore, #tpu.memory_space<semaphore_mem>>)
    %scan3A = arith.constant 0 : i32
    %scan3A_17 = arith.constant 20 : i32
    %scan3A_18 = arith.addi %scan3A, %scan3A_17 : i32
    %scan3A_19 = arith.constant 1 : i32
    scf.for %scan3A_31 = %scan3A to %scan3A_18 step %scan3A_19  : i32 {
      %mul3A_32 = arith.constant 2 : i32
      %mul3A_33 = arith.muli %scan3A_31, %mul3A_32 : i32
      %add3A_34 = arith.constant 0 : i32
      %add3A_35 = arith.addi %add3A_34, %mul3A_33 : i32
      %add3A_36 = arith.constant 0 : i32
      %add3A_37 = arith.addi %add3A_35, %add3A_36 : i32
      %dma_wait3A = arith.constant 0 : i32
      %dma_wait3A_38 = tpu.memref_slice %arg6[%add3A_37, %dma_wait3A] : memref<40x128xi32, #tpu.memory_space<vmem>> -> memref<1x128xi32, #tpu.memory_space<vmem>>
      %dma_wait3A_39 = tpu.memref_squeeze %dma_wait3A_38 : memref<1x128xi32, #tpu.memory_space<vmem>> -> memref<128xi32, #tpu.memory_space<vmem>>
      %dma_wait3A_40 = arith.constant 0 : i32
      %dma_wait3A_41 = arith.constant 0 : i32
      %dma_wait3A_42 = tpu.memref_slice %arg2[%dma_wait3A_40, %dma_wait3A_41] : memref<10000x128xf32, #tpu.memory_space<hbm>> -> memref<10000x128xf32, #tpu.memory_space<hbm>>
      tpu.wait_indirect_dma semaphore(%arg11 : memref<!tpu.dma_semaphore, #tpu.memory_space<semaphore_mem>>) src(%dma_wait3A_42 : memref<10000x128xf32, #tpu.memory_space<hbm>>) dst(%arg8 : memref<128x128xf32, #tpu.memory_space<vmem>>)
      %add3A_43 = arith.constant 0 : i32
      %add3A_44 = arith.addi %add3A_35, %add3A_43 : i32
      "tpu.region"() ({
        %run_scoped3A = tpu.sem_alloc : memref<!tpu.dma_semaphore, #tpu.memory_space<semaphore_mem>>
        %dma_start3A_70 = arith.constant 0 : i32
        %dma_start3A_71 = tpu.memref_slice %arg7[%add3A_44, %dma_start3A_70] : memref<40x128xi32, #tpu.memory_space<vmem>> -> memref<1x128xi32, #tpu.memory_space<vmem>>
        %dma_start3A_72 = tpu.memref_squeeze %dma_start3A_71 : memref<1x128xi32, #tpu.memory_space<vmem>> -> memref<128xi32, #tpu.memory_space<vmem>>
        %dma_start3A_73 = arith.constant 0 : i32
        %dma_start3A_74 = arith.constant 0 : i32
        %dma_start3A_75 = tpu.memref_slice %arg10[%dma_start3A_73, %dma_start3A_74] : memref<10400x128xf32, #tpu.memory_space<vmem_shared>> -> memref<10400x128xf32, #tpu.memory_space<vmem_shared>>
        tpu.enqueue_indirect_dma source(%arg8 : memref<128x128xf32, #tpu.memory_space<vmem>>) target(%dma_start3A_75 : memref<10400x128xf32, #tpu.memory_space<vmem_shared>>) offsets(%dma_start3A_72 : memref<128xi32, #tpu.memory_space<vmem>>) semaphore(%run_scoped3A : memref<!tpu.dma_semaphore, #tpu.memory_space<semaphore_mem>>) {add = true}
        %dma_wait3A_76 = arith.constant 0 : i32
        %dma_wait3A_77 = tpu.memref_slice %arg7[%add3A_44, %dma_wait3A_76] : memref<40x128xi32, #tpu.memory_space<vmem>> -> memref<1x128xi32, #tpu.memory_space<vmem>>
        %dma_wait3A_78 = tpu.memref_squeeze %dma_wait3A_77 : memref<1x128xi32, #tpu.memory_space<vmem>> -> memref<128xi32, #tpu.memory_space<vmem>>
        %dma_wait3A_79 = arith.constant 0 : i32
        %dma_wait3A_80 = arith.constant 0 : i32
        %dma_wait3A_81 = tpu.memref_slice %arg10[%dma_wait3A_79, %dma_wait3A_80] : memref<10400x128xf32, #tpu.memory_space<vmem_shared>> -> memref<10400x128xf32, #tpu.memory_space<vmem_shared>>
        tpu.wait_indirect_dma semaphore(%run_scoped3A : memref<!tpu.dma_semaphore, #tpu.memory_space<semaphore_mem>>) src(%arg8 : memref<128x128xf32, #tpu.memory_space<vmem>>) dst(%dma_wait3A_81 : memref<10400x128xf32, #tpu.memory_space<vmem_shared>>)
        tpu.yield
      }) : () -> ()
      %add3A_45 = arith.constant 0 : i32
      %add3A_46 = arith.addi %add3A_35, %add3A_45 : i32
      %add3A_47 = arith.constant 2 : i32
      %add3A_48 = arith.addi %add3A_46, %add3A_47 : i32
      %lt3A = arith.constant 40 : i32
      %lt3A_49 = arith.cmpi slt, %add3A_48, %lt3A : i32
      %convert_element_type3A = arith.extui %lt3A_49 : i1 to i32
      %cond3A = arith.constant 0 : i32
      %cond3A_50 = arith.cmpi ne, %convert_element_type3A, %cond3A : i32
      scf.if %cond3A_50 {
        %add3A_70 = arith.constant 0 : i32
        %add3A_71 = arith.addi %add3A_35, %add3A_70 : i32
        %add3A_72 = arith.constant 2 : i32
        %add3A_73 = arith.addi %add3A_71, %add3A_72 : i32
        %dma_start3A_74 = arith.constant 0 : i32
        %dma_start3A_75 = tpu.memref_slice %arg6[%add3A_73, %dma_start3A_74] : memref<40x128xi32, #tpu.memory_space<vmem>> -> memref<1x128xi32, #tpu.memory_space<vmem>>
        %dma_start3A_76 = tpu.memref_squeeze %dma_start3A_75 : memref<1x128xi32, #tpu.memory_space<vmem>> -> memref<128xi32, #tpu.memory_space<vmem>>
        %dma_start3A_77 = arith.constant 0 : i32
        %dma_start3A_78 = arith.constant 0 : i32
        %dma_start3A_79 = tpu.memref_slice %arg2[%dma_start3A_77, %dma_start3A_78] : memref<10000x128xf32, #tpu.memory_space<hbm>> -> memref<10000x128xf32, #tpu.memory_space<hbm>>
        tpu.enqueue_indirect_dma source(%dma_start3A_79 : memref<10000x128xf32, #tpu.memory_space<hbm>>) target(%arg8 : memref<128x128xf32, #tpu.memory_space<vmem>>) offsets(%dma_start3A_76 : memref<128xi32, #tpu.memory_space<vmem>>) semaphore(%arg11 : memref<!tpu.dma_semaphore, #tpu.memory_space<semaphore_mem>>)
      } else {
      }
      %add3A_51 = arith.constant 1 : i32
      %add3A_52 = arith.addi %add3A_35, %add3A_51 : i32
      %dma_wait3A_53 = arith.constant 0 : i32
      %dma_wait3A_54 = tpu.memref_slice %arg6[%add3A_52, %dma_wait3A_53] : memref<40x128xi32, #tpu.memory_space<vmem>> -> memref<1x128xi32, #tpu.memory_space<vmem>>
      %dma_wait3A_55 = tpu.memref_squeeze %dma_wait3A_54 : memref<1x128xi32, #tpu.memory_space<vmem>> -> memref<128xi32, #tpu.memory_space<vmem>>
      %dma_wait3A_56 = arith.constant 0 : i32
      %dma_wait3A_57 = arith.constant 0 : i32
      %dma_wait3A_58 = tpu.memref_slice %arg2[%dma_wait3A_56, %dma_wait3A_57] : memref<10000x128xf32, #tpu.memory_space<hbm>> -> memref<10000x128xf32, #tpu.memory_space<hbm>>
      tpu.wait_indirect_dma semaphore(%arg12 : memref<!tpu.dma_semaphore, #tpu.memory_space<semaphore_mem>>) src(%dma_wait3A_58 : memref<10000x128xf32, #tpu.memory_space<hbm>>) dst(%arg9 : memref<128x128xf32, #tpu.memory_space<vmem>>)
      %add3A_59 = arith.constant 1 : i32
      %add3A_60 = arith.addi %add3A_35, %add3A_59 : i32
      "tpu.region"() ({
        %run_scoped3A = tpu.sem_alloc : memref<!tpu.dma_semaphore, #tpu.memory_space<semaphore_mem>>
        %dma_start3A_70 = arith.constant 0 : i32
        %dma_start3A_71 = tpu.memref_slice %arg7[%add3A_60, %dma_start3A_70] : memref<40x128xi32, #tpu.memory_space<vmem>> -> memref<1x128xi32, #tpu.memory_space<vmem>>
        %dma_start3A_72 = tpu.memref_squeeze %dma_start3A_71 : memref<1x128xi32, #tpu.memory_space<vmem>> -> memref<128xi32, #tpu.memory_space<vmem>>
        %dma_start3A_73 = arith.constant 0 : i32
        %dma_start3A_74 = arith.constant 0 : i32
        %dma_start3A_75 = tpu.memref_slice %arg10[%dma_start3A_73, %dma_start3A_74] : memref<10400x128xf32, #tpu.memory_space<vmem_shared>> -> memref<10400x128xf32, #tpu.memory_space<vmem_shared>>
        tpu.enqueue_indirect_dma source(%arg9 : memref<128x128xf32, #tpu.memory_space<vmem>>) target(%dma_start3A_75 : memref<10400x128xf32, #tpu.memory_space<vmem_shared>>) offsets(%dma_start3A_72 : memref<128xi32, #tpu.memory_space<vmem>>) semaphore(%run_scoped3A : memref<!tpu.dma_semaphore, #tpu.memory_space<semaphore_mem>>) {add = true}
        %dma_wait3A_76 = arith.constant 0 : i32
        %dma_wait3A_77 = tpu.memref_slice %arg7[%add3A_60, %dma_wait3A_76] : memref<40x128xi32, #tpu.memory_space<vmem>> -> memref<1x128xi32, #tpu.memory_space<vmem>>
        %dma_wait3A_78 = tpu.memref_squeeze %dma_wait3A_77 : memref<1x128xi32, #tpu.memory_space<vmem>> -> memref<128xi32, #tpu.memory_space<vmem>>
        %dma_wait3A_79 = arith.constant 0 : i32
        %dma_wait3A_80 = arith.constant 0 : i32
        %dma_wait3A_81 = tpu.memref_slice %arg10[%dma_wait3A_79, %dma_wait3A_80] : memref<10400x128xf32, #tpu.memory_space<vmem_shared>> -> memref<10400x128xf32, #tpu.memory_space<vmem_shared>>
        tpu.wait_indirect_dma semaphore(%run_scoped3A : memref<!tpu.dma_semaphore, #tpu.memory_space<semaphore_mem>>) src(%arg9 : memref<128x128xf32, #tpu.memory_space<vmem>>) dst(%dma_wait3A_81 : memref<10400x128xf32, #tpu.memory_space<vmem_shared>>)
        tpu.yield
      }) : () -> ()
      %add3A_61 = arith.constant 1 : i32
      %add3A_62 = arith.addi %add3A_35, %add3A_61 : i32
      %add3A_63 = arith.constant 2 : i32
      %add3A_64 = arith.addi %add3A_62, %add3A_63 : i32
      %lt3A_65 = arith.constant 40 : i32
      %lt3A_66 = arith.cmpi slt, %add3A_64, %lt3A_65 : i32
      %convert_element_type3A_67 = arith.extui %lt3A_66 : i1 to i32
      %cond3A_68 = arith.constant 0 : i32
      %cond3A_69 = arith.cmpi ne, %convert_element_type3A_67, %cond3A_68 : i32
      scf.if %cond3A_69 {
        %add3A_70 = arith.constant 1 : i32
        %add3A_71 = arith.addi %add3A_35, %add3A_70 : i32
        %add3A_72 = arith.constant 2 : i32
        %add3A_73 = arith.addi %add3A_71, %add3A_72 : i32
        %dma_start3A_74 = arith.constant 0 : i32
        %dma_start3A_75 = tpu.memref_slice %arg6[%add3A_73, %dma_start3A_74] : memref<40x128xi32, #tpu.memory_space<vmem>> -> memref<1x128xi32, #tpu.memory_space<vmem>>
        %dma_start3A_76 = tpu.memref_squeeze %dma_start3A_75 : memref<1x128xi32, #tpu.memory_space<vmem>> -> memref<128xi32, #tpu.memory_space<vmem>>
        %dma_start3A_77 = arith.constant 0 : i32
        %dma_start3A_78 = arith.constant 0 : i32
        %dma_start3A_79 = tpu.memref_slice %arg2[%dma_start3A_77, %dma_start3A_78] : memref<10000x128xf32, #tpu.memory_space<hbm>> -> memref<10000x128xf32, #tpu.memory_space<hbm>>
        tpu.enqueue_indirect_dma source(%dma_start3A_79 : memref<10000x128xf32, #tpu.memory_space<hbm>>) target(%arg9 : memref<128x128xf32, #tpu.memory_space<vmem>>) offsets(%dma_start3A_76 : memref<128xi32, #tpu.memory_space<vmem>>) semaphore(%arg12 : memref<!tpu.dma_semaphore, #tpu.memory_space<semaphore_mem>>)
      } else {
      }
    }
    %scan3A_20 = arith.constant 20 : i32
    %barrier3A_21 = arith.constant 0 : index
    tpu.barrier barrier_id(%barrier3A_21)
    %mul3A_22 = arith.constant 656 : i32
    %mul3A_23 = arith.muli %arg1, %mul3A_22 : i32
    %min3A_24 = arith.constant 9744 : i32
    %min3A_25 = arith.minsi %mul3A_23, %min3A_24 : i32
    %multiple_of3A_26 = tpu.assume_multiple %min3A_25, 8 : i32
    %mul3A_27 = arith.constant 10400 : i32
    %mul3A_28 = arith.muli %arg0, %mul3A_27 : i32
    %add3A_29 = arith.addi %mul3A_28, %multiple_of3A_26 : i32
    %multiple_of3A_30 = tpu.assume_multiple %add3A_29, 8 : i32
    "tpu.region"() ({
      %run_scoped3A = tpu.sem_alloc : memref<!tpu.dma_semaphore, #tpu.memory_space<semaphore_mem>>
      %dma_start3A_31 = arith.constant 0 : i32
      %dma_start3A_32 = tpu.memref_slice %arg5[%multiple_of3A_30, %dma_start3A_31] : memref<20800x128xf32, #tpu.memory_space<hbm>> -> memref<656x128xf32, #tpu.memory_space<hbm>>
      %dma_start3A_33 = arith.constant 0 : i32
      %dma_start3A_34 = tpu.memref_slice %arg10[%multiple_of3A_26, %dma_start3A_33] : memref<10400x128xf32, #tpu.memory_space<vmem_shared>> -> memref<656x128xf32, #tpu.memory_space<vmem_shared>>
      tpu.enqueue_dma source(%dma_start3A_34 : memref<656x128xf32, #tpu.memory_space<vmem_shared>>) target(%dma_start3A_32 : memref<656x128xf32, #tpu.memory_space<hbm>>) target_semaphore(%run_scoped3A : memref<!tpu.dma_semaphore, #tpu.memory_space<semaphore_mem>>)
      %dma_wait3A = arith.constant 0 : i32
      %dma_wait3A_35 = tpu.memref_slice %arg5[%multiple_of3A_30, %dma_wait3A] : memref<20800x128xf32, #tpu.memory_space<hbm>> -> memref<656x128xf32, #tpu.memory_space<hbm>>
      %dma_wait3A_36 = arith.constant 0 : i32
      %dma_wait3A_37 = tpu.memref_slice %arg10[%multiple_of3A_26, %dma_wait3A_36] : memref<10400x128xf32, #tpu.memory_space<vmem_shared>> -> memref<656x128xf32, #tpu.memory_space<vmem_shared>>
      tpu.wait_dma2 semaphore(%run_scoped3A : memref<!tpu.dma_semaphore, #tpu.memory_space<semaphore_mem>>) src(%dma_wait3A_37 : memref<656x128xf32, #tpu.memory_space<vmem_shared>>) dst(%dma_wait3A_35 : memref<656x128xf32, #tpu.memory_space<hbm>>)
      tpu.yield
    }) : () -> ()
    return
  }
}

#map = affine_map<(d0, d1) -> (0, 0)>
#map1 = affine_map<(d0, d1) -> (0, 0, 0)>
module attributes {stable_mosaic.version = 14 : i64} {
  func.func @k(%arg0: i32, %arg1: i32, %arg2: memref<10000x128xf32, #tpu.memory_space<hbm>>, %arg3: memref<32x40x128xi32, #tpu.memory_space<hbm>>, %arg4: memref<32x40x128xi32, #tpu.memory_space<hbm>>, %arg5: memref<20800x128xf32, #tpu.memory_space<hbm>>, %arg6: memref<40x128xi32, #tpu.memory_space<vmem>>, %arg7: memref<40x128xi32, #tpu.memory_space<vmem>>, %arg8: memref<128x128xf32, #tpu.memory_space<vmem>>, %arg9: memref<128x128xf32, #tpu.memory_space<vmem>>, %arg10: memref<10400x128xf32, #tpu.memory_space<vmem_shared>>, %arg11: memref<!tpu.dma_semaphore, #tpu.memory_space<semaphore_mem>>, %arg12: memref<!tpu.dma_semaphore, #tpu.memory_space<semaphore_mem>>) attributes {dimension_semantics = [#tpu.dimension_semantics<core_parallel>, #tpu.dimension_semantics<subcore_parallel>], iteration_bounds = array<i64: 2, 16>, scalar_prefetch = 0 : i64, scratch_operands = 7 : i64, tpu.core_type = #tpu.core_type<sc_vector_subcore>, window_params = [{transform_indices = #map}, {transform_indices = #map1}, {transform_indices = #map1}, {transform_indices = #map}]} {
    %mul3A = arith.constant 16 : i32
    %mul3A_0 = arith.muli %arg0, %mul3A : i32
    %add3A = arith.addi %mul3A_0, %arg1 : i32
    %mul3A_1 = arith.constant 632 : i32
    %mul3A_2 = arith.muli %arg1, %mul3A_1 : i32
    %min3A = arith.constant 9368 : i32
    %min3A_3 = arith.minsi %mul3A_2, %min3A : i32
    %multiple_of3A = tpu.assume_multiple %min3A_3, 8 : i32
    "tpu.region"() ({
      %run_scoped3A = tpu.sem_alloc : memref<!tpu.dma_semaphore, #tpu.memory_space<semaphore_mem>>
      %dma_start3A_31 = arith.constant 0 : i32
      %dma_start3A_32 = tpu.memref_slice %arg10[%multiple_of3A, %dma_start3A_31] : memref<10400x128xf32, #tpu.memory_space<vmem_shared>> -> memref<632x128xf32, #tpu.memory_space<vmem_shared>>
      %dma_start3A_33 = arith.constant 0 : i32
      %dma_start3A_34 = tpu.memref_slice %arg2[%multiple_of3A, %dma_start3A_33] : memref<10000x128xf32, #tpu.memory_space<hbm>> -> memref<632x128xf32, #tpu.memory_space<hbm>>
      tpu.enqueue_dma source(%dma_start3A_34 : memref<632x128xf32, #tpu.memory_space<hbm>>) target(%dma_start3A_32 : memref<632x128xf32, #tpu.memory_space<vmem_shared>>) target_semaphore(%run_scoped3A : memref<!tpu.dma_semaphore, #tpu.memory_space<semaphore_mem>>)
      %dma_wait3A = arith.constant 0 : i32
      %dma_wait3A_35 = tpu.memref_slice %arg10[%multiple_of3A, %dma_wait3A] : memref<10400x128xf32, #tpu.memory_space<vmem_shared>> -> memref<632x128xf32, #tpu.memory_space<vmem_shared>>
      %dma_wait3A_36 = arith.constant 0 : i32
      %dma_wait3A_37 = tpu.memref_slice %arg2[%multiple_of3A, %dma_wait3A_36] : memref<10000x128xf32, #tpu.memory_space<hbm>> -> memref<632x128xf32, #tpu.memory_space<hbm>>
      tpu.wait_dma2 semaphore(%run_scoped3A : memref<!tpu.dma_semaphore, #tpu.memory_space<semaphore_mem>>) src(%dma_wait3A_37 : memref<632x128xf32, #tpu.memory_space<hbm>>) dst(%dma_wait3A_35 : memref<632x128xf32, #tpu.memory_space<vmem_shared>>)
      tpu.yield
    }) : () -> ()
    "tpu.region"() ({
      %run_scoped3A = tpu.sem_alloc : memref<!tpu.dma_semaphore, #tpu.memory_space<semaphore_mem>>
      %dma_start3A_31 = arith.constant 0 : i32
      %dma_start3A_32 = arith.constant 0 : i32
      %dma_start3A_33 = tpu.memref_slice %arg3[%add3A, %dma_start3A_31, %dma_start3A_32] : memref<32x40x128xi32, #tpu.memory_space<hbm>> -> memref<1x40x128xi32, #tpu.memory_space<hbm>>
      %dma_start3A_34 = tpu.memref_squeeze %dma_start3A_33 : memref<1x40x128xi32, #tpu.memory_space<hbm>> -> memref<40x128xi32, #tpu.memory_space<hbm>>
      %dma_start3A_35 = arith.constant 0 : i32
      %dma_start3A_36 = arith.constant 0 : i32
      %dma_start3A_37 = tpu.memref_slice %arg3[%add3A, %dma_start3A_35, %dma_start3A_36] : memref<32x40x128xi32, #tpu.memory_space<hbm>> -> memref<1x40x128xi32, #tpu.memory_space<hbm>>
      %dma_start3A_38 = tpu.memref_squeeze %dma_start3A_37 : memref<1x40x128xi32, #tpu.memory_space<hbm>> -> memref<40x128xi32, #tpu.memory_space<hbm>>
      tpu.enqueue_dma source(%dma_start3A_38 : memref<40x128xi32, #tpu.memory_space<hbm>>) target(%arg6 : memref<40x128xi32, #tpu.memory_space<vmem>>) target_semaphore(%run_scoped3A : memref<!tpu.dma_semaphore, #tpu.memory_space<semaphore_mem>>)
      %dma_wait3A = arith.constant 0 : i32
      %dma_wait3A_39 = arith.constant 0 : i32
      %dma_wait3A_40 = tpu.memref_slice %arg3[%add3A, %dma_wait3A, %dma_wait3A_39] : memref<32x40x128xi32, #tpu.memory_space<hbm>> -> memref<1x40x128xi32, #tpu.memory_space<hbm>>
      %dma_wait3A_41 = tpu.memref_squeeze %dma_wait3A_40 : memref<1x40x128xi32, #tpu.memory_space<hbm>> -> memref<40x128xi32, #tpu.memory_space<hbm>>
      %dma_wait3A_42 = arith.constant 0 : i32
      %dma_wait3A_43 = arith.constant 0 : i32
      %dma_wait3A_44 = tpu.memref_slice %arg3[%add3A, %dma_wait3A_42, %dma_wait3A_43] : memref<32x40x128xi32, #tpu.memory_space<hbm>> -> memref<1x40x128xi32, #tpu.memory_space<hbm>>
      %dma_wait3A_45 = tpu.memref_squeeze %dma_wait3A_44 : memref<1x40x128xi32, #tpu.memory_space<hbm>> -> memref<40x128xi32, #tpu.memory_space<hbm>>
      tpu.wait_dma2 semaphore(%run_scoped3A : memref<!tpu.dma_semaphore, #tpu.memory_space<semaphore_mem>>) src(%dma_wait3A_45 : memref<40x128xi32, #tpu.memory_space<hbm>>) dst(%arg6 : memref<40x128xi32, #tpu.memory_space<vmem>>)
      tpu.yield
    }) : () -> ()
    "tpu.region"() ({
      %run_scoped3A = tpu.sem_alloc : memref<!tpu.dma_semaphore, #tpu.memory_space<semaphore_mem>>
      %dma_start3A_31 = arith.constant 0 : i32
      %dma_start3A_32 = arith.constant 0 : i32
      %dma_start3A_33 = tpu.memref_slice %arg4[%add3A, %dma_start3A_31, %dma_start3A_32] : memref<32x40x128xi32, #tpu.memory_space<hbm>> -> memref<1x40x128xi32, #tpu.memory_space<hbm>>
      %dma_start3A_34 = tpu.memref_squeeze %dma_start3A_33 : memref<1x40x128xi32, #tpu.memory_space<hbm>> -> memref<40x128xi32, #tpu.memory_space<hbm>>
      %dma_start3A_35 = arith.constant 0 : i32
      %dma_start3A_36 = arith.constant 0 : i32
      %dma_start3A_37 = tpu.memref_slice %arg4[%add3A, %dma_start3A_35, %dma_start3A_36] : memref<32x40x128xi32, #tpu.memory_space<hbm>> -> memref<1x40x128xi32, #tpu.memory_space<hbm>>
      %dma_start3A_38 = tpu.memref_squeeze %dma_start3A_37 : memref<1x40x128xi32, #tpu.memory_space<hbm>> -> memref<40x128xi32, #tpu.memory_space<hbm>>
      tpu.enqueue_dma source(%dma_start3A_38 : memref<40x128xi32, #tpu.memory_space<hbm>>) target(%arg7 : memref<40x128xi32, #tpu.memory_space<vmem>>) target_semaphore(%run_scoped3A : memref<!tpu.dma_semaphore, #tpu.memory_space<semaphore_mem>>)
      %dma_wait3A = arith.constant 0 : i32
      %dma_wait3A_39 = arith.constant 0 : i32
      %dma_wait3A_40 = tpu.memref_slice %arg4[%add3A, %dma_wait3A, %dma_wait3A_39] : memref<32x40x128xi32, #tpu.memory_space<hbm>> -> memref<1x40x128xi32, #tpu.memory_space<hbm>>
      %dma_wait3A_41 = tpu.memref_squeeze %dma_wait3A_40 : memref<1x40x128xi32, #tpu.memory_space<hbm>> -> memref<40x128xi32, #tpu.memory_space<hbm>>
      %dma_wait3A_42 = arith.constant 0 : i32
      %dma_wait3A_43 = arith.constant 0 : i32
      %dma_wait3A_44 = tpu.memref_slice %arg4[%add3A, %dma_wait3A_42, %dma_wait3A_43] : memref<32x40x128xi32, #tpu.memory_space<hbm>> -> memref<1x40x128xi32, #tpu.memory_space<hbm>>
      %dma_wait3A_45 = tpu.memref_squeeze %dma_wait3A_44 : memref<1x40x128xi32, #tpu.memory_space<hbm>> -> memref<40x128xi32, #tpu.memory_space<hbm>>
      tpu.wait_dma2 semaphore(%run_scoped3A : memref<!tpu.dma_semaphore, #tpu.memory_space<semaphore_mem>>) src(%dma_wait3A_45 : memref<40x128xi32, #tpu.memory_space<hbm>>) dst(%arg7 : memref<40x128xi32, #tpu.memory_space<vmem>>)
      tpu.yield
    }) : () -> ()
    %barrier3A = arith.constant 0 : index
    tpu.barrier barrier_id(%barrier3A)
    %dma_start3A = arith.constant 0 : i32
    %dma_start3A_4 = arith.constant 0 : i32
    %dma_start3A_5 = tpu.memref_slice %arg6[%dma_start3A, %dma_start3A_4] : memref<40x128xi32, #tpu.memory_space<vmem>> -> memref<1x128xi32, #tpu.memory_space<vmem>>
    %dma_start3A_6 = tpu.memref_squeeze %dma_start3A_5 : memref<1x128xi32, #tpu.memory_space<vmem>> -> memref<128xi32, #tpu.memory_space<vmem>>
    %dma_start3A_7 = arith.constant 0 : i32
    %dma_start3A_8 = arith.constant 0 : i32
    %dma_start3A_9 = tpu.memref_slice %arg2[%dma_start3A_7, %dma_start3A_8] : memref<10000x128xf32, #tpu.memory_space<hbm>> -> memref<10000x128xf32, #tpu.memory_space<hbm>>
    tpu.enqueue_indirect_dma source(%dma_start3A_9 : memref<10000x128xf32, #tpu.memory_space<hbm>>) target(%arg8 : memref<128x128xf32, #tpu.memory_space<vmem>>) offsets(%dma_start3A_6 : memref<128xi32, #tpu.memory_space<vmem>>) semaphore(%arg11 : memref<!tpu.dma_semaphore, #tpu.memory_space<semaphore_mem>>)
    %dma_start3A_10 = arith.constant 1 : i32
    %dma_start3A_11 = arith.constant 0 : i32
    %dma_start3A_12 = tpu.memref_slice %arg6[%dma_start3A_10, %dma_start3A_11] : memref<40x128xi32, #tpu.memory_space<vmem>> -> memref<1x128xi32, #tpu.memory_space<vmem>>
    %dma_start3A_13 = tpu.memref_squeeze %dma_start3A_12 : memref<1x128xi32, #tpu.memory_space<vmem>> -> memref<128xi32, #tpu.memory_space<vmem>>
    %dma_start3A_14 = arith.constant 0 : i32
    %dma_start3A_15 = arith.constant 0 : i32
    %dma_start3A_16 = tpu.memref_slice %arg2[%dma_start3A_14, %dma_start3A_15] : memref<10000x128xf32, #tpu.memory_space<hbm>> -> memref<10000x128xf32, #tpu.memory_space<hbm>>
    tpu.enqueue_indirect_dma source(%dma_start3A_16 : memref<10000x128xf32, #tpu.memory_space<hbm>>) target(%arg9 : memref<128x128xf32, #tpu.memory_space<vmem>>) offsets(%dma_start3A_13 : memref<128xi32, #tpu.memory_space<vmem>>) semaphore(%arg12 : memref<!tpu.dma_semaphore, #tpu.memory_space<semaphore_mem>>)
    %scan3A = arith.constant 0 : i32
    %scan3A_17 = arith.constant 20 : i32
    %scan3A_18 = arith.addi %scan3A, %scan3A_17 : i32
    %scan3A_19 = arith.constant 1 : i32
    scf.for %scan3A_31 = %scan3A to %scan3A_18 step %scan3A_19  : i32 {
      %mul3A_32 = arith.constant 2 : i32
      %mul3A_33 = arith.muli %scan3A_31, %mul3A_32 : i32
      %add3A_34 = arith.constant 0 : i32
      %add3A_35 = arith.addi %add3A_34, %mul3A_33 : i32
      %add3A_36 = arith.constant 0 : i32
      %add3A_37 = arith.addi %add3A_35, %add3A_36 : i32
      %dma_wait3A = arith.constant 0 : i32
      %dma_wait3A_38 = tpu.memref_slice %arg6[%add3A_37, %dma_wait3A] : memref<40x128xi32, #tpu.memory_space<vmem>> -> memref<1x128xi32, #tpu.memory_space<vmem>>
      %dma_wait3A_39 = tpu.memref_squeeze %dma_wait3A_38 : memref<1x128xi32, #tpu.memory_space<vmem>> -> memref<128xi32, #tpu.memory_space<vmem>>
      %dma_wait3A_40 = arith.constant 0 : i32
      %dma_wait3A_41 = arith.constant 0 : i32
      %dma_wait3A_42 = tpu.memref_slice %arg2[%dma_wait3A_40, %dma_wait3A_41] : memref<10000x128xf32, #tpu.memory_space<hbm>> -> memref<10000x128xf32, #tpu.memory_space<hbm>>
      tpu.wait_indirect_dma semaphore(%arg11 : memref<!tpu.dma_semaphore, #tpu.memory_space<semaphore_mem>>) src(%dma_wait3A_42 : memref<10000x128xf32, #tpu.memory_space<hbm>>) dst(%arg8 : memref<128x128xf32, #tpu.memory_space<vmem>>)
      %add3A_43 = arith.constant 0 : i32
      %add3A_44 = arith.addi %add3A_35, %add3A_43 : i32
      "tpu.region"() ({
        %run_scoped3A = tpu.sem_alloc : memref<!tpu.dma_semaphore, #tpu.memory_space<semaphore_mem>>
        %dma_start3A_70 = arith.constant 0 : i32
        %dma_start3A_71 = tpu.memref_slice %arg7[%add3A_44, %dma_start3A_70] : memref<40x128xi32, #tpu.memory_space<vmem>> -> memref<1x128xi32, #tpu.memory_space<vmem>>
        %dma_start3A_72 = tpu.memref_squeeze %dma_start3A_71 : memref<1x128xi32, #tpu.memory_space<vmem>> -> memref<128xi32, #tpu.memory_space<vmem>>
        %dma_start3A_73 = arith.constant 0 : i32
        %dma_start3A_74 = arith.constant 0 : i32
        %dma_start3A_75 = tpu.memref_slice %arg10[%dma_start3A_73, %dma_start3A_74] : memref<10400x128xf32, #tpu.memory_space<vmem_shared>> -> memref<10400x128xf32, #tpu.memory_space<vmem_shared>>
        tpu.enqueue_indirect_dma source(%arg8 : memref<128x128xf32, #tpu.memory_space<vmem>>) target(%dma_start3A_75 : memref<10400x128xf32, #tpu.memory_space<vmem_shared>>) offsets(%dma_start3A_72 : memref<128xi32, #tpu.memory_space<vmem>>) semaphore(%run_scoped3A : memref<!tpu.dma_semaphore, #tpu.memory_space<semaphore_mem>>) {add = true}
        %dma_wait3A_76 = arith.constant 0 : i32
        %dma_wait3A_77 = tpu.memref_slice %arg7[%add3A_44, %dma_wait3A_76] : memref<40x128xi32, #tpu.memory_space<vmem>> -> memref<1x128xi32, #tpu.memory_space<vmem>>
        %dma_wait3A_78 = tpu.memref_squeeze %dma_wait3A_77 : memref<1x128xi32, #tpu.memory_space<vmem>> -> memref<128xi32, #tpu.memory_space<vmem>>
        %dma_wait3A_79 = arith.constant 0 : i32
        %dma_wait3A_80 = arith.constant 0 : i32
        %dma_wait3A_81 = tpu.memref_slice %arg10[%dma_wait3A_79, %dma_wait3A_80] : memref<10400x128xf32, #tpu.memory_space<vmem_shared>> -> memref<10400x128xf32, #tpu.memory_space<vmem_shared>>
        tpu.wait_indirect_dma semaphore(%run_scoped3A : memref<!tpu.dma_semaphore, #tpu.memory_space<semaphore_mem>>) src(%arg8 : memref<128x128xf32, #tpu.memory_space<vmem>>) dst(%dma_wait3A_81 : memref<10400x128xf32, #tpu.memory_space<vmem_shared>>)
        tpu.yield
      }) : () -> ()
      %add3A_45 = arith.constant 0 : i32
      %add3A_46 = arith.addi %add3A_35, %add3A_45 : i32
      %add3A_47 = arith.constant 2 : i32
      %add3A_48 = arith.addi %add3A_46, %add3A_47 : i32
      %lt3A = arith.constant 40 : i32
      %lt3A_49 = arith.cmpi slt, %add3A_48, %lt3A : i32
      %convert_element_type3A = arith.extui %lt3A_49 : i1 to i32
      %cond3A = arith.constant 0 : i32
      %cond3A_50 = arith.cmpi ne, %convert_element_type3A, %cond3A : i32
      scf.if %cond3A_50 {
        %add3A_70 = arith.constant 0 : i32
        %add3A_71 = arith.addi %add3A_35, %add3A_70 : i32
        %add3A_72 = arith.constant 2 : i32
        %add3A_73 = arith.addi %add3A_71, %add3A_72 : i32
        %dma_start3A_74 = arith.constant 0 : i32
        %dma_start3A_75 = tpu.memref_slice %arg6[%add3A_73, %dma_start3A_74] : memref<40x128xi32, #tpu.memory_space<vmem>> -> memref<1x128xi32, #tpu.memory_space<vmem>>
        %dma_start3A_76 = tpu.memref_squeeze %dma_start3A_75 : memref<1x128xi32, #tpu.memory_space<vmem>> -> memref<128xi32, #tpu.memory_space<vmem>>
        %dma_start3A_77 = arith.constant 0 : i32
        %dma_start3A_78 = arith.constant 0 : i32
        %dma_start3A_79 = tpu.memref_slice %arg2[%dma_start3A_77, %dma_start3A_78] : memref<10000x128xf32, #tpu.memory_space<hbm>> -> memref<10000x128xf32, #tpu.memory_space<hbm>>
        tpu.enqueue_indirect_dma source(%dma_start3A_79 : memref<10000x128xf32, #tpu.memory_space<hbm>>) target(%arg8 : memref<128x128xf32, #tpu.memory_space<vmem>>) offsets(%dma_start3A_76 : memref<128xi32, #tpu.memory_space<vmem>>) semaphore(%arg11 : memref<!tpu.dma_semaphore, #tpu.memory_space<semaphore_mem>>)
      } else {
      }
      %add3A_51 = arith.constant 1 : i32
      %add3A_52 = arith.addi %add3A_35, %add3A_51 : i32
      %dma_wait3A_53 = arith.constant 0 : i32
      %dma_wait3A_54 = tpu.memref_slice %arg6[%add3A_52, %dma_wait3A_53] : memref<40x128xi32, #tpu.memory_space<vmem>> -> memref<1x128xi32, #tpu.memory_space<vmem>>
      %dma_wait3A_55 = tpu.memref_squeeze %dma_wait3A_54 : memref<1x128xi32, #tpu.memory_space<vmem>> -> memref<128xi32, #tpu.memory_space<vmem>>
      %dma_wait3A_56 = arith.constant 0 : i32
      %dma_wait3A_57 = arith.constant 0 : i32
      %dma_wait3A_58 = tpu.memref_slice %arg2[%dma_wait3A_56, %dma_wait3A_57] : memref<10000x128xf32, #tpu.memory_space<hbm>> -> memref<10000x128xf32, #tpu.memory_space<hbm>>
      tpu.wait_indirect_dma semaphore(%arg12 : memref<!tpu.dma_semaphore, #tpu.memory_space<semaphore_mem>>) src(%dma_wait3A_58 : memref<10000x128xf32, #tpu.memory_space<hbm>>) dst(%arg9 : memref<128x128xf32, #tpu.memory_space<vmem>>)
      %add3A_59 = arith.constant 1 : i32
      %add3A_60 = arith.addi %add3A_35, %add3A_59 : i32
      "tpu.region"() ({
        %run_scoped3A = tpu.sem_alloc : memref<!tpu.dma_semaphore, #tpu.memory_space<semaphore_mem>>
        %dma_start3A_70 = arith.constant 0 : i32
        %dma_start3A_71 = tpu.memref_slice %arg7[%add3A_60, %dma_start3A_70] : memref<40x128xi32, #tpu.memory_space<vmem>> -> memref<1x128xi32, #tpu.memory_space<vmem>>
        %dma_start3A_72 = tpu.memref_squeeze %dma_start3A_71 : memref<1x128xi32, #tpu.memory_space<vmem>> -> memref<128xi32, #tpu.memory_space<vmem>>
        %dma_start3A_73 = arith.constant 0 : i32
        %dma_start3A_74 = arith.constant 0 : i32
        %dma_start3A_75 = tpu.memref_slice %arg10[%dma_start3A_73, %dma_start3A_74] : memref<10400x128xf32, #tpu.memory_space<vmem_shared>> -> memref<10400x128xf32, #tpu.memory_space<vmem_shared>>
        tpu.enqueue_indirect_dma source(%arg9 : memref<128x128xf32, #tpu.memory_space<vmem>>) target(%dma_start3A_75 : memref<10400x128xf32, #tpu.memory_space<vmem_shared>>) offsets(%dma_start3A_72 : memref<128xi32, #tpu.memory_space<vmem>>) semaphore(%run_scoped3A : memref<!tpu.dma_semaphore, #tpu.memory_space<semaphore_mem>>) {add = true}
        %dma_wait3A_76 = arith.constant 0 : i32
        %dma_wait3A_77 = tpu.memref_slice %arg7[%add3A_60, %dma_wait3A_76] : memref<40x128xi32, #tpu.memory_space<vmem>> -> memref<1x128xi32, #tpu.memory_space<vmem>>
        %dma_wait3A_78 = tpu.memref_squeeze %dma_wait3A_77 : memref<1x128xi32, #tpu.memory_space<vmem>> -> memref<128xi32, #tpu.memory_space<vmem>>
        %dma_wait3A_79 = arith.constant 0 : i32
        %dma_wait3A_80 = arith.constant 0 : i32
        %dma_wait3A_81 = tpu.memref_slice %arg10[%dma_wait3A_79, %dma_wait3A_80] : memref<10400x128xf32, #tpu.memory_space<vmem_shared>> -> memref<10400x128xf32, #tpu.memory_space<vmem_shared>>
        tpu.wait_indirect_dma semaphore(%run_scoped3A : memref<!tpu.dma_semaphore, #tpu.memory_space<semaphore_mem>>) src(%arg9 : memref<128x128xf32, #tpu.memory_space<vmem>>) dst(%dma_wait3A_81 : memref<10400x128xf32, #tpu.memory_space<vmem_shared>>)
        tpu.yield
      }) : () -> ()
      %add3A_61 = arith.constant 1 : i32
      %add3A_62 = arith.addi %add3A_35, %add3A_61 : i32
      %add3A_63 = arith.constant 2 : i32
      %add3A_64 = arith.addi %add3A_62, %add3A_63 : i32
      %lt3A_65 = arith.constant 40 : i32
      %lt3A_66 = arith.cmpi slt, %add3A_64, %lt3A_65 : i32
      %convert_element_type3A_67 = arith.extui %lt3A_66 : i1 to i32
      %cond3A_68 = arith.constant 0 : i32
      %cond3A_69 = arith.cmpi ne, %convert_element_type3A_67, %cond3A_68 : i32
      scf.if %cond3A_69 {
        %add3A_70 = arith.constant 1 : i32
        %add3A_71 = arith.addi %add3A_35, %add3A_70 : i32
        %add3A_72 = arith.constant 2 : i32
        %add3A_73 = arith.addi %add3A_71, %add3A_72 : i32
        %dma_start3A_74 = arith.constant 0 : i32
        %dma_start3A_75 = tpu.memref_slice %arg6[%add3A_73, %dma_start3A_74] : memref<40x128xi32, #tpu.memory_space<vmem>> -> memref<1x128xi32, #tpu.memory_space<vmem>>
        %dma_start3A_76 = tpu.memref_squeeze %dma_start3A_75 : memref<1x128xi32, #tpu.memory_space<vmem>> -> memref<128xi32, #tpu.memory_space<vmem>>
        %dma_start3A_77 = arith.constant 0 : i32
        %dma_start3A_78 = arith.constant 0 : i32
        %dma_start3A_79 = tpu.memref_slice %arg2[%dma_start3A_77, %dma_start3A_78] : memref<10000x128xf32, #tpu.memory_space<hbm>> -> memref<10000x128xf32, #tpu.memory_space<hbm>>
        tpu.enqueue_indirect_dma source(%dma_start3A_79 : memref<10000x128xf32, #tpu.memory_space<hbm>>) target(%arg9 : memref<128x128xf32, #tpu.memory_space<vmem>>) offsets(%dma_start3A_76 : memref<128xi32, #tpu.memory_space<vmem>>) semaphore(%arg12 : memref<!tpu.dma_semaphore, #tpu.memory_space<semaphore_mem>>)
      } else {
      }
    }
    %scan3A_20 = arith.constant 20 : i32
    %barrier3A_21 = arith.constant 0 : index
    tpu.barrier barrier_id(%barrier3A_21)
    %mul3A_22 = arith.constant 656 : i32
    %mul3A_23 = arith.muli %arg1, %mul3A_22 : i32
    %min3A_24 = arith.constant 9744 : i32
    %min3A_25 = arith.minsi %mul3A_23, %min3A_24 : i32
    %multiple_of3A_26 = tpu.assume_multiple %min3A_25, 8 : i32
    %mul3A_27 = arith.constant 10400 : i32
    %mul3A_28 = arith.muli %arg0, %mul3A_27 : i32
    %add3A_29 = arith.addi %mul3A_28, %multiple_of3A_26 : i32
    %multiple_of3A_30 = tpu.assume_multiple %add3A_29, 8 : i32
    "tpu.region"() ({
      %run_scoped3A = tpu.sem_alloc : memref<!tpu.dma_semaphore, #tpu.memory_space<semaphore_mem>>
      %dma_start3A_31 = arith.constant 0 : i32
      %dma_start3A_32 = tpu.memref_slice %arg5[%multiple_of3A_30, %dma_start3A_31] : memref<20800x128xf32, #tpu.memory_space<hbm>> -> memref<656x128xf32, #tpu.memory_space<hbm>>
      %dma_start3A_33 = arith.constant 0 : i32
      %dma_start3A_34 = tpu.memref_slice %arg10[%multiple_of3A_26, %dma_start3A_33] : memref<10400x128xf32, #tpu.memory_space<vmem_shared>> -> memref<656x128xf32, #tpu.memory_space<vmem_shared>>
      tpu.enqueue_dma source(%dma_start3A_34 : memref<656x128xf32, #tpu.memory_space<vmem_shared>>) target(%dma_start3A_32 : memref<656x128xf32, #tpu.memory_space<hbm>>) target_semaphore(%run_scoped3A : memref<!tpu.dma_semaphore, #tpu.memory_space<semaphore_mem>>)
      %dma_wait3A = arith.constant 0 : i32
      %dma_wait3A_35 = tpu.memref_slice %arg5[%multiple_of3A_30, %dma_wait3A] : memref<20800x128xf32, #tpu.memory_space<hbm>> -> memref<656x128xf32, #tpu.memory_space<hbm>>
      %dma_wait3A_36 = arith.constant 0 : i32
      %dma_wait3A_37 = tpu.memref_slice %arg10[%multiple_of3A_26, %dma_wait3A_36] : memref<10400x128xf32, #tpu.memory_space<vmem_shared>> -> memref<656x128xf32, #tpu.memory_space<vmem_shared>>
      tpu.wait_dma2 semaphore(%run_scoped3A : memref<!tpu.dma_semaphore, #tpu.memory_space<semaphore_mem>>) src(%dma_wait3A_37 : memref<656x128xf32, #tpu.memory_space<vmem_shared>>) dst(%dma_wait3A_35 : memref<656x128xf32, #tpu.memory_space<hbm>>)
      tpu.yield
    }) : () -> ()
    return
  }
}

#map = affine_map<(d0, d1) -> (0, 0)>
#map1 = affine_map<(d0, d1) -> (0, 0, 0)>
module attributes {stable_mosaic.version = 14 : i64} {
  func.func @k(%arg0: i32, %arg1: i32, %arg2: memref<10000x128xf32, #tpu.memory_space<hbm>>, %arg3: memref<32x40x128xi32, #tpu.memory_space<hbm>>, %arg4: memref<32x40x128xi32, #tpu.memory_space<hbm>>, %arg5: memref<20800x128xf32, #tpu.memory_space<hbm>>, %arg6: memref<40x128xi32, #tpu.memory_space<vmem>>, %arg7: memref<40x128xi32, #tpu.memory_space<vmem>>, %arg8: memref<128x128xf32, #tpu.memory_space<vmem>>, %arg9: memref<128x128xf32, #tpu.memory_space<vmem>>, %arg10: memref<10400x128xf32, #tpu.memory_space<vmem_shared>>, %arg11: memref<!tpu.dma_semaphore, #tpu.memory_space<semaphore_mem>>, %arg12: memref<!tpu.dma_semaphore, #tpu.memory_space<semaphore_mem>>) attributes {dimension_semantics = [#tpu.dimension_semantics<core_parallel>, #tpu.dimension_semantics<subcore_parallel>], iteration_bounds = array<i64: 2, 16>, scalar_prefetch = 0 : i64, scratch_operands = 7 : i64, tpu.core_type = #tpu.core_type<sc_vector_subcore>, window_params = [{transform_indices = #map}, {transform_indices = #map1}, {transform_indices = #map1}, {transform_indices = #map}]} {
    %mul3A = arith.constant 16 : i32
    %mul3A_0 = arith.muli %arg0, %mul3A : i32
    %add3A = arith.addi %mul3A_0, %arg1 : i32
    %mul3A_1 = arith.constant 632 : i32
    %mul3A_2 = arith.muli %arg1, %mul3A_1 : i32
    %min3A = arith.constant 9368 : i32
    %min3A_3 = arith.minsi %mul3A_2, %min3A : i32
    %multiple_of3A = tpu.assume_multiple %min3A_3, 8 : i32
    "tpu.region"() ({
      %run_scoped3A = tpu.sem_alloc : memref<!tpu.dma_semaphore, #tpu.memory_space<semaphore_mem>>
      %dma_start3A_31 = arith.constant 0 : i32
      %dma_start3A_32 = tpu.memref_slice %arg10[%multiple_of3A, %dma_start3A_31] : memref<10400x128xf32, #tpu.memory_space<vmem_shared>> -> memref<632x128xf32, #tpu.memory_space<vmem_shared>>
      %dma_start3A_33 = arith.constant 0 : i32
      %dma_start3A_34 = tpu.memref_slice %arg2[%multiple_of3A, %dma_start3A_33] : memref<10000x128xf32, #tpu.memory_space<hbm>> -> memref<632x128xf32, #tpu.memory_space<hbm>>
      tpu.enqueue_dma source(%dma_start3A_34 : memref<632x128xf32, #tpu.memory_space<hbm>>) target(%dma_start3A_32 : memref<632x128xf32, #tpu.memory_space<vmem_shared>>) target_semaphore(%run_scoped3A : memref<!tpu.dma_semaphore, #tpu.memory_space<semaphore_mem>>)
      %dma_wait3A = arith.constant 0 : i32
      %dma_wait3A_35 = tpu.memref_slice %arg10[%multiple_of3A, %dma_wait3A] : memref<10400x128xf32, #tpu.memory_space<vmem_shared>> -> memref<632x128xf32, #tpu.memory_space<vmem_shared>>
      %dma_wait3A_36 = arith.constant 0 : i32
      %dma_wait3A_37 = tpu.memref_slice %arg2[%multiple_of3A, %dma_wait3A_36] : memref<10000x128xf32, #tpu.memory_space<hbm>> -> memref<632x128xf32, #tpu.memory_space<hbm>>
      tpu.wait_dma2 semaphore(%run_scoped3A : memref<!tpu.dma_semaphore, #tpu.memory_space<semaphore_mem>>) src(%dma_wait3A_37 : memref<632x128xf32, #tpu.memory_space<hbm>>) dst(%dma_wait3A_35 : memref<632x128xf32, #tpu.memory_space<vmem_shared>>)
      tpu.yield
    }) : () -> ()
    "tpu.region"() ({
      %run_scoped3A = tpu.sem_alloc : memref<!tpu.dma_semaphore, #tpu.memory_space<semaphore_mem>>
      %dma_start3A_31 = arith.constant 0 : i32
      %dma_start3A_32 = arith.constant 0 : i32
      %dma_start3A_33 = tpu.memref_slice %arg3[%add3A, %dma_start3A_31, %dma_start3A_32] : memref<32x40x128xi32, #tpu.memory_space<hbm>> -> memref<1x40x128xi32, #tpu.memory_space<hbm>>
      %dma_start3A_34 = tpu.memref_squeeze %dma_start3A_33 : memref<1x40x128xi32, #tpu.memory_space<hbm>> -> memref<40x128xi32, #tpu.memory_space<hbm>>
      %dma_start3A_35 = arith.constant 0 : i32
      %dma_start3A_36 = arith.constant 0 : i32
      %dma_start3A_37 = tpu.memref_slice %arg3[%add3A, %dma_start3A_35, %dma_start3A_36] : memref<32x40x128xi32, #tpu.memory_space<hbm>> -> memref<1x40x128xi32, #tpu.memory_space<hbm>>
      %dma_start3A_38 = tpu.memref_squeeze %dma_start3A_37 : memref<1x40x128xi32, #tpu.memory_space<hbm>> -> memref<40x128xi32, #tpu.memory_space<hbm>>
      tpu.enqueue_dma source(%dma_start3A_38 : memref<40x128xi32, #tpu.memory_space<hbm>>) target(%arg6 : memref<40x128xi32, #tpu.memory_space<vmem>>) target_semaphore(%run_scoped3A : memref<!tpu.dma_semaphore, #tpu.memory_space<semaphore_mem>>)
      %dma_wait3A = arith.constant 0 : i32
      %dma_wait3A_39 = arith.constant 0 : i32
      %dma_wait3A_40 = tpu.memref_slice %arg3[%add3A, %dma_wait3A, %dma_wait3A_39] : memref<32x40x128xi32, #tpu.memory_space<hbm>> -> memref<1x40x128xi32, #tpu.memory_space<hbm>>
      %dma_wait3A_41 = tpu.memref_squeeze %dma_wait3A_40 : memref<1x40x128xi32, #tpu.memory_space<hbm>> -> memref<40x128xi32, #tpu.memory_space<hbm>>
      %dma_wait3A_42 = arith.constant 0 : i32
      %dma_wait3A_43 = arith.constant 0 : i32
      %dma_wait3A_44 = tpu.memref_slice %arg3[%add3A, %dma_wait3A_42, %dma_wait3A_43] : memref<32x40x128xi32, #tpu.memory_space<hbm>> -> memref<1x40x128xi32, #tpu.memory_space<hbm>>
      %dma_wait3A_45 = tpu.memref_squeeze %dma_wait3A_44 : memref<1x40x128xi32, #tpu.memory_space<hbm>> -> memref<40x128xi32, #tpu.memory_space<hbm>>
      tpu.wait_dma2 semaphore(%run_scoped3A : memref<!tpu.dma_semaphore, #tpu.memory_space<semaphore_mem>>) src(%dma_wait3A_45 : memref<40x128xi32, #tpu.memory_space<hbm>>) dst(%arg6 : memref<40x128xi32, #tpu.memory_space<vmem>>)
      tpu.yield
    }) : () -> ()
    "tpu.region"() ({
      %run_scoped3A = tpu.sem_alloc : memref<!tpu.dma_semaphore, #tpu.memory_space<semaphore_mem>>
      %dma_start3A_31 = arith.constant 0 : i32
      %dma_start3A_32 = arith.constant 0 : i32
      %dma_start3A_33 = tpu.memref_slice %arg4[%add3A, %dma_start3A_31, %dma_start3A_32] : memref<32x40x128xi32, #tpu.memory_space<hbm>> -> memref<1x40x128xi32, #tpu.memory_space<hbm>>
      %dma_start3A_34 = tpu.memref_squeeze %dma_start3A_33 : memref<1x40x128xi32, #tpu.memory_space<hbm>> -> memref<40x128xi32, #tpu.memory_space<hbm>>
      %dma_start3A_35 = arith.constant 0 : i32
      %dma_start3A_36 = arith.constant 0 : i32
      %dma_start3A_37 = tpu.memref_slice %arg4[%add3A, %dma_start3A_35, %dma_start3A_36] : memref<32x40x128xi32, #tpu.memory_space<hbm>> -> memref<1x40x128xi32, #tpu.memory_space<hbm>>
      %dma_start3A_38 = tpu.memref_squeeze %dma_start3A_37 : memref<1x40x128xi32, #tpu.memory_space<hbm>> -> memref<40x128xi32, #tpu.memory_space<hbm>>
      tpu.enqueue_dma source(%dma_start3A_38 : memref<40x128xi32, #tpu.memory_space<hbm>>) target(%arg7 : memref<40x128xi32, #tpu.memory_space<vmem>>) target_semaphore(%run_scoped3A : memref<!tpu.dma_semaphore, #tpu.memory_space<semaphore_mem>>)
      %dma_wait3A = arith.constant 0 : i32
      %dma_wait3A_39 = arith.constant 0 : i32
      %dma_wait3A_40 = tpu.memref_slice %arg4[%add3A, %dma_wait3A, %dma_wait3A_39] : memref<32x40x128xi32, #tpu.memory_space<hbm>> -> memref<1x40x128xi32, #tpu.memory_space<hbm>>
      %dma_wait3A_41 = tpu.memref_squeeze %dma_wait3A_40 : memref<1x40x128xi32, #tpu.memory_space<hbm>> -> memref<40x128xi32, #tpu.memory_space<hbm>>
      %dma_wait3A_42 = arith.constant 0 : i32
      %dma_wait3A_43 = arith.constant 0 : i32
      %dma_wait3A_44 = tpu.memref_slice %arg4[%add3A, %dma_wait3A_42, %dma_wait3A_43] : memref<32x40x128xi32, #tpu.memory_space<hbm>> -> memref<1x40x128xi32, #tpu.memory_space<hbm>>
      %dma_wait3A_45 = tpu.memref_squeeze %dma_wait3A_44 : memref<1x40x128xi32, #tpu.memory_space<hbm>> -> memref<40x128xi32, #tpu.memory_space<hbm>>
      tpu.wait_dma2 semaphore(%run_scoped3A : memref<!tpu.dma_semaphore, #tpu.memory_space<semaphore_mem>>) src(%dma_wait3A_45 : memref<40x128xi32, #tpu.memory_space<hbm>>) dst(%arg7 : memref<40x128xi32, #tpu.memory_space<vmem>>)
      tpu.yield
    }) : () -> ()
    %barrier3A = arith.constant 0 : index
    tpu.barrier barrier_id(%barrier3A)
    %dma_start3A = arith.constant 0 : i32
    %dma_start3A_4 = arith.constant 0 : i32
    %dma_start3A_5 = tpu.memref_slice %arg6[%dma_start3A, %dma_start3A_4] : memref<40x128xi32, #tpu.memory_space<vmem>> -> memref<1x128xi32, #tpu.memory_space<vmem>>
    %dma_start3A_6 = tpu.memref_squeeze %dma_start3A_5 : memref<1x128xi32, #tpu.memory_space<vmem>> -> memref<128xi32, #tpu.memory_space<vmem>>
    %dma_start3A_7 = arith.constant 0 : i32
    %dma_start3A_8 = arith.constant 0 : i32
    %dma_start3A_9 = tpu.memref_slice %arg2[%dma_start3A_7, %dma_start3A_8] : memref<10000x128xf32, #tpu.memory_space<hbm>> -> memref<10000x128xf32, #tpu.memory_space<hbm>>
    tpu.enqueue_indirect_dma source(%dma_start3A_9 : memref<10000x128xf32, #tpu.memory_space<hbm>>) target(%arg8 : memref<128x128xf32, #tpu.memory_space<vmem>>) offsets(%dma_start3A_6 : memref<128xi32, #tpu.memory_space<vmem>>) semaphore(%arg11 : memref<!tpu.dma_semaphore, #tpu.memory_space<semaphore_mem>>)
    %dma_start3A_10 = arith.constant 1 : i32
    %dma_start3A_11 = arith.constant 0 : i32
    %dma_start3A_12 = tpu.memref_slice %arg6[%dma_start3A_10, %dma_start3A_11] : memref<40x128xi32, #tpu.memory_space<vmem>> -> memref<1x128xi32, #tpu.memory_space<vmem>>
    %dma_start3A_13 = tpu.memref_squeeze %dma_start3A_12 : memref<1x128xi32, #tpu.memory_space<vmem>> -> memref<128xi32, #tpu.memory_space<vmem>>
    %dma_start3A_14 = arith.constant 0 : i32
    %dma_start3A_15 = arith.constant 0 : i32
    %dma_start3A_16 = tpu.memref_slice %arg2[%dma_start3A_14, %dma_start3A_15] : memref<10000x128xf32, #tpu.memory_space<hbm>> -> memref<10000x128xf32, #tpu.memory_space<hbm>>
    tpu.enqueue_indirect_dma source(%dma_start3A_16 : memref<10000x128xf32, #tpu.memory_space<hbm>>) target(%arg9 : memref<128x128xf32, #tpu.memory_space<vmem>>) offsets(%dma_start3A_13 : memref<128xi32, #tpu.memory_space<vmem>>) semaphore(%arg12 : memref<!tpu.dma_semaphore, #tpu.memory_space<semaphore_mem>>)
    %scan3A = arith.constant 0 : i32
    %scan3A_17 = arith.constant 20 : i32
    %scan3A_18 = arith.addi %scan3A, %scan3A_17 : i32
    %scan3A_19 = arith.constant 1 : i32
    scf.for %scan3A_31 = %scan3A to %scan3A_18 step %scan3A_19  : i32 {
      %mul3A_32 = arith.constant 2 : i32
      %mul3A_33 = arith.muli %scan3A_31, %mul3A_32 : i32
      %add3A_34 = arith.constant 0 : i32
      %add3A_35 = arith.addi %add3A_34, %mul3A_33 : i32
      %add3A_36 = arith.constant 0 : i32
      %add3A_37 = arith.addi %add3A_35, %add3A_36 : i32
      %dma_wait3A = arith.constant 0 : i32
      %dma_wait3A_38 = tpu.memref_slice %arg6[%add3A_37, %dma_wait3A] : memref<40x128xi32, #tpu.memory_space<vmem>> -> memref<1x128xi32, #tpu.memory_space<vmem>>
      %dma_wait3A_39 = tpu.memref_squeeze %dma_wait3A_38 : memref<1x128xi32, #tpu.memory_space<vmem>> -> memref<128xi32, #tpu.memory_space<vmem>>
      %dma_wait3A_40 = arith.constant 0 : i32
      %dma_wait3A_41 = arith.constant 0 : i32
      %dma_wait3A_42 = tpu.memref_slice %arg2[%dma_wait3A_40, %dma_wait3A_41] : memref<10000x128xf32, #tpu.memory_space<hbm>> -> memref<10000x128xf32, #tpu.memory_space<hbm>>
      tpu.wait_indirect_dma semaphore(%arg11 : memref<!tpu.dma_semaphore, #tpu.memory_space<semaphore_mem>>) src(%dma_wait3A_42 : memref<10000x128xf32, #tpu.memory_space<hbm>>) dst(%arg8 : memref<128x128xf32, #tpu.memory_space<vmem>>)
      %add3A_43 = arith.constant 0 : i32
      %add3A_44 = arith.addi %add3A_35, %add3A_43 : i32
      "tpu.region"() ({
        %run_scoped3A = tpu.sem_alloc : memref<!tpu.dma_semaphore, #tpu.memory_space<semaphore_mem>>
        %dma_start3A_70 = arith.constant 0 : i32
        %dma_start3A_71 = tpu.memref_slice %arg7[%add3A_44, %dma_start3A_70] : memref<40x128xi32, #tpu.memory_space<vmem>> -> memref<1x128xi32, #tpu.memory_space<vmem>>
        %dma_start3A_72 = tpu.memref_squeeze %dma_start3A_71 : memref<1x128xi32, #tpu.memory_space<vmem>> -> memref<128xi32, #tpu.memory_space<vmem>>
        %dma_start3A_73 = arith.constant 0 : i32
        %dma_start3A_74 = arith.constant 0 : i32
        %dma_start3A_75 = tpu.memref_slice %arg10[%dma_start3A_73, %dma_start3A_74] : memref<10400x128xf32, #tpu.memory_space<vmem_shared>> -> memref<10400x128xf32, #tpu.memory_space<vmem_shared>>
        tpu.enqueue_indirect_dma source(%arg8 : memref<128x128xf32, #tpu.memory_space<vmem>>) target(%dma_start3A_75 : memref<10400x128xf32, #tpu.memory_space<vmem_shared>>) offsets(%dma_start3A_72 : memref<128xi32, #tpu.memory_space<vmem>>) semaphore(%run_scoped3A : memref<!tpu.dma_semaphore, #tpu.memory_space<semaphore_mem>>) {add = true}
        %dma_wait3A_76 = arith.constant 0 : i32
        %dma_wait3A_77 = tpu.memref_slice %arg7[%add3A_44, %dma_wait3A_76] : memref<40x128xi32, #tpu.memory_space<vmem>> -> memref<1x128xi32, #tpu.memory_space<vmem>>
        %dma_wait3A_78 = tpu.memref_squeeze %dma_wait3A_77 : memref<1x128xi32, #tpu.memory_space<vmem>> -> memref<128xi32, #tpu.memory_space<vmem>>
        %dma_wait3A_79 = arith.constant 0 : i32
        %dma_wait3A_80 = arith.constant 0 : i32
        %dma_wait3A_81 = tpu.memref_slice %arg10[%dma_wait3A_79, %dma_wait3A_80] : memref<10400x128xf32, #tpu.memory_space<vmem_shared>> -> memref<10400x128xf32, #tpu.memory_space<vmem_shared>>
        tpu.wait_indirect_dma semaphore(%run_scoped3A : memref<!tpu.dma_semaphore, #tpu.memory_space<semaphore_mem>>) src(%arg8 : memref<128x128xf32, #tpu.memory_space<vmem>>) dst(%dma_wait3A_81 : memref<10400x128xf32, #tpu.memory_space<vmem_shared>>)
        tpu.yield
      }) : () -> ()
      %add3A_45 = arith.constant 0 : i32
      %add3A_46 = arith.addi %add3A_35, %add3A_45 : i32
      %add3A_47 = arith.constant 2 : i32
      %add3A_48 = arith.addi %add3A_46, %add3A_47 : i32
      %lt3A = arith.constant 40 : i32
      %lt3A_49 = arith.cmpi slt, %add3A_48, %lt3A : i32
      %convert_element_type3A = arith.extui %lt3A_49 : i1 to i32
      %cond3A = arith.constant 0 : i32
      %cond3A_50 = arith.cmpi ne, %convert_element_type3A, %cond3A : i32
      scf.if %cond3A_50 {
        %add3A_70 = arith.constant 0 : i32
        %add3A_71 = arith.addi %add3A_35, %add3A_70 : i32
        %add3A_72 = arith.constant 2 : i32
        %add3A_73 = arith.addi %add3A_71, %add3A_72 : i32
        %dma_start3A_74 = arith.constant 0 : i32
        %dma_start3A_75 = tpu.memref_slice %arg6[%add3A_73, %dma_start3A_74] : memref<40x128xi32, #tpu.memory_space<vmem>> -> memref<1x128xi32, #tpu.memory_space<vmem>>
        %dma_start3A_76 = tpu.memref_squeeze %dma_start3A_75 : memref<1x128xi32, #tpu.memory_space<vmem>> -> memref<128xi32, #tpu.memory_space<vmem>>
        %dma_start3A_77 = arith.constant 0 : i32
        %dma_start3A_78 = arith.constant 0 : i32
        %dma_start3A_79 = tpu.memref_slice %arg2[%dma_start3A_77, %dma_start3A_78] : memref<10000x128xf32, #tpu.memory_space<hbm>> -> memref<10000x128xf32, #tpu.memory_space<hbm>>
        tpu.enqueue_indirect_dma source(%dma_start3A_79 : memref<10000x128xf32, #tpu.memory_space<hbm>>) target(%arg8 : memref<128x128xf32, #tpu.memory_space<vmem>>) offsets(%dma_start3A_76 : memref<128xi32, #tpu.memory_space<vmem>>) semaphore(%arg11 : memref<!tpu.dma_semaphore, #tpu.memory_space<semaphore_mem>>)
      } else {
      }
      %add3A_51 = arith.constant 1 : i32
      %add3A_52 = arith.addi %add3A_35, %add3A_51 : i32
      %dma_wait3A_53 = arith.constant 0 : i32
      %dma_wait3A_54 = tpu.memref_slice %arg6[%add3A_52, %dma_wait3A_53] : memref<40x128xi32, #tpu.memory_space<vmem>> -> memref<1x128xi32, #tpu.memory_space<vmem>>
      %dma_wait3A_55 = tpu.memref_squeeze %dma_wait3A_54 : memref<1x128xi32, #tpu.memory_space<vmem>> -> memref<128xi32, #tpu.memory_space<vmem>>
      %dma_wait3A_56 = arith.constant 0 : i32
      %dma_wait3A_57 = arith.constant 0 : i32
      %dma_wait3A_58 = tpu.memref_slice %arg2[%dma_wait3A_56, %dma_wait3A_57] : memref<10000x128xf32, #tpu.memory_space<hbm>> -> memref<10000x128xf32, #tpu.memory_space<hbm>>
      tpu.wait_indirect_dma semaphore(%arg12 : memref<!tpu.dma_semaphore, #tpu.memory_space<semaphore_mem>>) src(%dma_wait3A_58 : memref<10000x128xf32, #tpu.memory_space<hbm>>) dst(%arg9 : memref<128x128xf32, #tpu.memory_space<vmem>>)
      %add3A_59 = arith.constant 1 : i32
      %add3A_60 = arith.addi %add3A_35, %add3A_59 : i32
      "tpu.region"() ({
        %run_scoped3A = tpu.sem_alloc : memref<!tpu.dma_semaphore, #tpu.memory_space<semaphore_mem>>
        %dma_start3A_70 = arith.constant 0 : i32
        %dma_start3A_71 = tpu.memref_slice %arg7[%add3A_60, %dma_start3A_70] : memref<40x128xi32, #tpu.memory_space<vmem>> -> memref<1x128xi32, #tpu.memory_space<vmem>>
        %dma_start3A_72 = tpu.memref_squeeze %dma_start3A_71 : memref<1x128xi32, #tpu.memory_space<vmem>> -> memref<128xi32, #tpu.memory_space<vmem>>
        %dma_start3A_73 = arith.constant 0 : i32
        %dma_start3A_74 = arith.constant 0 : i32
        %dma_start3A_75 = tpu.memref_slice %arg10[%dma_start3A_73, %dma_start3A_74] : memref<10400x128xf32, #tpu.memory_space<vmem_shared>> -> memref<10400x128xf32, #tpu.memory_space<vmem_shared>>
        tpu.enqueue_indirect_dma source(%arg9 : memref<128x128xf32, #tpu.memory_space<vmem>>) target(%dma_start3A_75 : memref<10400x128xf32, #tpu.memory_space<vmem_shared>>) offsets(%dma_start3A_72 : memref<128xi32, #tpu.memory_space<vmem>>) semaphore(%run_scoped3A : memref<!tpu.dma_semaphore, #tpu.memory_space<semaphore_mem>>) {add = true}
        %dma_wait3A_76 = arith.constant 0 : i32
        %dma_wait3A_77 = tpu.memref_slice %arg7[%add3A_60, %dma_wait3A_76] : memref<40x128xi32, #tpu.memory_space<vmem>> -> memref<1x128xi32, #tpu.memory_space<vmem>>
        %dma_wait3A_78 = tpu.memref_squeeze %dma_wait3A_77 : memref<1x128xi32, #tpu.memory_space<vmem>> -> memref<128xi32, #tpu.memory_space<vmem>>
        %dma_wait3A_79 = arith.constant 0 : i32
        %dma_wait3A_80 = arith.constant 0 : i32
        %dma_wait3A_81 = tpu.memref_slice %arg10[%dma_wait3A_79, %dma_wait3A_80] : memref<10400x128xf32, #tpu.memory_space<vmem_shared>> -> memref<10400x128xf32, #tpu.memory_space<vmem_shared>>
        tpu.wait_indirect_dma semaphore(%run_scoped3A : memref<!tpu.dma_semaphore, #tpu.memory_space<semaphore_mem>>) src(%arg9 : memref<128x128xf32, #tpu.memory_space<vmem>>) dst(%dma_wait3A_81 : memref<10400x128xf32, #tpu.memory_space<vmem_shared>>)
        tpu.yield
      }) : () -> ()
      %add3A_61 = arith.constant 1 : i32
      %add3A_62 = arith.addi %add3A_35, %add3A_61 : i32
      %add3A_63 = arith.constant 2 : i32
      %add3A_64 = arith.addi %add3A_62, %add3A_63 : i32
      %lt3A_65 = arith.constant 40 : i32
      %lt3A_66 = arith.cmpi slt, %add3A_64, %lt3A_65 : i32
      %convert_element_type3A_67 = arith.extui %lt3A_66 : i1 to i32
      %cond3A_68 = arith.constant 0 : i32
      %cond3A_69 = arith.cmpi ne, %convert_element_type3A_67, %cond3A_68 : i32
      scf.if %cond3A_69 {
        %add3A_70 = arith.constant 1 : i32
        %add3A_71 = arith.addi %add3A_35, %add3A_70 : i32
        %add3A_72 = arith.constant 2 : i32
        %add3A_73 = arith.addi %add3A_71, %add3A_72 : i32
        %dma_start3A_74 = arith.constant 0 : i32
        %dma_start3A_75 = tpu.memref_slice %arg6[%add3A_73, %dma_start3A_74] : memref<40x128xi32, #tpu.memory_space<vmem>> -> memref<1x128xi32, #tpu.memory_space<vmem>>
        %dma_start3A_76 = tpu.memref_squeeze %dma_start3A_75 : memref<1x128xi32, #tpu.memory_space<vmem>> -> memref<128xi32, #tpu.memory_space<vmem>>
        %dma_start3A_77 = arith.constant 0 : i32
        %dma_start3A_78 = arith.constant 0 : i32
        %dma_start3A_79 = tpu.memref_slice %arg2[%dma_start3A_77, %dma_start3A_78] : memref<10000x128xf32, #tpu.memory_space<hbm>> -> memref<10000x128xf32, #tpu.memory_space<hbm>>
        tpu.enqueue_indirect_dma source(%dma_start3A_79 : memref<10000x128xf32, #tpu.memory_space<hbm>>) target(%arg9 : memref<128x128xf32, #tpu.memory_space<vmem>>) offsets(%dma_start3A_76 : memref<128xi32, #tpu.memory_space<vmem>>) semaphore(%arg12 : memref<!tpu.dma_semaphore, #tpu.memory_space<semaphore_mem>>)
      } else {
      }
    }
    %scan3A_20 = arith.constant 20 : i32
    %barrier3A_21 = arith.constant 0 : index
    tpu.barrier barrier_id(%barrier3A_21)
    %mul3A_22 = arith.constant 656 : i32
    %mul3A_23 = arith.muli %arg1, %mul3A_22 : i32
    %min3A_24 = arith.constant 9744 : i32
    %min3A_25 = arith.minsi %mul3A_23, %min3A_24 : i32
    %multiple_of3A_26 = tpu.assume_multiple %min3A_25, 8 : i32
    %mul3A_27 = arith.constant 10400 : i32
    %mul3A_28 = arith.muli %arg0, %mul3A_27 : i32
    %add3A_29 = arith.addi %mul3A_28, %multiple_of3A_26 : i32
    %multiple_of3A_30 = tpu.assume_multiple %add3A_29, 8 : i32
    "tpu.region"() ({
      %run_scoped3A = tpu.sem_alloc : memref<!tpu.dma_semaphore, #tpu.memory_space<semaphore_mem>>
      %dma_start3A_31 = arith.constant 0 : i32
      %dma_start3A_32 = tpu.memref_slice %arg5[%multiple_of3A_30, %dma_start3A_31] : memref<20800x128xf32, #tpu.memory_space<hbm>> -> memref<656x128xf32, #tpu.memory_space<hbm>>
      %dma_start3A_33 = arith.constant 0 : i32
      %dma_start3A_34 = tpu.memref_slice %arg10[%multiple_of3A_26, %dma_start3A_33] : memref<10400x128xf32, #tpu.memory_space<vmem_shared>> -> memref<656x128xf32, #tpu.memory_space<vmem_shared>>
      tpu.enqueue_dma source(%dma_start3A_34 : memref<656x128xf32, #tpu.memory_space<vmem_shared>>) target(%dma_start3A_32 : memref<656x128xf32, #tpu.memory_space<hbm>>) target_semaphore(%run_scoped3A : memref<!tpu.dma_semaphore, #tpu.memory_space<semaphore_mem>>)
      %dma_wait3A = arith.constant 0 : i32
      %dma_wait3A_35 = tpu.memref_slice %arg5[%multiple_of3A_30, %dma_wait3A] : memref<20800x128xf32, #tpu.memory_space<hbm>> -> memref<656x128xf32, #tpu.memory_space<hbm>>
      %dma_wait3A_36 = arith.constant 0 : i32
      %dma_wait3A_37 = tpu.memref_slice %arg10[%multiple_of3A_26, %dma_wait3A_36] : memref<10400x128xf32, #tpu.memory_space<vmem_shared>> -> memref<656x128xf32, #tpu.memory_space<vmem_shared>>
      tpu.wait_dma2 semaphore(%run_scoped3A : memref<!tpu.dma_semaphore, #tpu.memory_space<semaphore_mem>>) src(%dma_wait3A_37 : memref<656x128xf32, #tpu.memory_space<vmem_shared>>) dst(%dma_wait3A_35 : memref<656x128xf32, #tpu.memory_space<hbm>>)
      tpu.yield
    }) : () -> ()
    return
  }
}

module attributes {stable_mosaic.version = 14 : i64} {
  func.func @_mm0_body(%arg0: i32, %arg1: memref<400x5181xf32, #tpu.memory_space<vmem>>, %arg2: memref<5181x128xbf16, #tpu.memory_space<vmem>>, %arg3: memref<400x128xf32, #tpu.memory_space<vmem>>) attributes {dimension_semantics = [#tpu.dimension_semantics<arbitrary>], iteration_bounds = array<i64: 25>, scalar_prefetch = 0 : i64, scratch_operands = 0 : i64, tpu.core_type = #tpu.core_type<tc>, window_params = [{transform_indices = @transform_0, window_bounds = array<i64: 400, 5181>}, {pipeline_mode = #tpu.pipeline_mode<synchronous>, transform_indices = @transform_1, window_bounds = array<i64: 5181, 128>}, {transform_indices = @transform_2, window_bounds = array<i64: 400, 128>}]} {
    %get3A = arith.constant 0 : index
    %get3A_0 = arith.constant 0 : index
    %get3A_1 = vector.load %arg1[%get3A, %get3A_0] : memref<400x5181xf32, #tpu.memory_space<vmem>>, vector<400x5181xf32>
    %get3A_2 = arith.constant 0 : index
    %get3A_3 = arith.constant 0 : index
    %get3A_4 = vector.load %arg2[%get3A_2, %get3A_3] : memref<5181x128xbf16, #tpu.memory_space<vmem>>, vector<5181x128xbf16>
    %convert_element_type3A = arith.extf %get3A_4 : vector<5181x128xbf16> to vector<5181x128xf32>
    %dot_general3A = arith.constant dense<0.000000e+00> : vector<400x128xf32>
    %dot_general3A_5 = tpu.matmul %get3A_1, %convert_element_type3A, %dot_general3A {dimension_numbers = #tpu.dot_dimension_numbers<[1], [0], [0], [1], [0, 0, 1, 1], [], []>, precision = #tpu.contract_precision<fp32>, transpose_lhs_hint = false} : vector<400x5181xf32>, vector<5181x128xf32>, vector<400x128xf32> -> vector<400x128xf32>
    %swap3A = arith.constant 0 : index
    %swap3A_6 = arith.constant 0 : index
    %swap3A_7 = vector.load %arg3[%swap3A, %swap3A_6] : memref<400x128xf32, #tpu.memory_space<vmem>>, vector<400x128xf32>
    tpu.vector_store %arg3[%swap3A, %swap3A_6], %dot_general3A_5 {strides = array<i32>} : memref<400x128xf32, #tpu.memory_space<vmem>>, vector<400x128xf32>,
    return
  }
  func.func @transform_0(%arg0: i32) -> (i32, i32) {
    %c0_i32 = arith.constant 0 : i32
    %c0_i32_0 = arith.constant 0 : i32
    return %arg0, %c0_i32 : i32, i32
  }
  func.func @transform_1(%arg0: i32) -> (i32, i32) {
    %c0_i32 = arith.constant 0 : i32
    %c0_i32_0 = arith.constant 0 : i32
    %c0_i32_1 = arith.constant 0 : i32
    return %c0_i32, %c0_i32_0 : i32, i32
  }
  func.func @transform_2(%arg0: i32) -> (i32, i32) {
    %c0_i32 = arith.constant 0 : i32
    %c0_i32_0 = arith.constant 0 : i32
    return %arg0, %c0_i32 : i32, i32
  }
}

module attributes {stable_mosaic.version = 14 : i64} {
  func.func @_mlp0_body(%arg0: i32, %arg1: memref<400x128xf32, #tpu.memory_space<vmem>>, %arg2: memref<400x128xf32, #tpu.memory_space<vmem>>, %arg3: memref<400x128xf32, #tpu.memory_space<vmem>>, %arg4: memref<1x128xf32, #tpu.memory_space<vmem>>, %arg5: memref<128x128xf32, #tpu.memory_space<vmem>>, %arg6: memref<1x128xf32, #tpu.memory_space<vmem>>, %arg7: memref<400x128xf32, #tpu.memory_space<vmem>>, %arg8: memref<1x128xf32, #tpu.memory_space<vmem>>, %arg9: memref<1x128xf32, #tpu.memory_space<vmem>>) attributes {dimension_semantics = [#tpu.dimension_semantics<arbitrary>], iteration_bounds = array<i64: 25>, scalar_prefetch = 0 : i64, scratch_operands = 0 : i64, tpu.core_type = #tpu.core_type<tc>, window_params = [{transform_indices = @transform_0, window_bounds = array<i64: 400, 128>}, {transform_indices = @transform_1, window_bounds = array<i64: 400, 128>}, {transform_indices = @transform_2, window_bounds = array<i64: 400, 128>}, {pipeline_mode = #tpu.pipeline_mode<synchronous>, transform_indices = @transform_3, window_bounds = array<i64: 1, 128>}, {pipeline_mode = #tpu.pipeline_mode<synchronous>, transform_indices = @transform_4, window_bounds = array<i64: 128, 128>}, {pipeline_mode = #tpu.pipeline_mode<synchronous>, transform_indices = @transform_5, window_bounds = array<i64: 1, 128>}, {transform_indices = @transform_6, window_bounds = array<i64: 400, 128>}, {pipeline_mode = #tpu.pipeline_mode<synchronous>, transform_indices = @transform_7, window_bounds = array<i64: 1, 128>}, {pipeline_mode = #tpu.pipeline_mode<synchronous>, transform_indices = @transform_8, window_bounds = array<i64: 1, 128>}]} {
    %get3A = arith.constant 0 : index
    %get3A_0 = arith.constant 0 : index
    %get3A_1 = vector.load %arg1[%get3A, %get3A_0] : memref<400x128xf32, #tpu.memory_space<vmem>>, vector<400x128xf32>
    %get3A_2 = arith.constant 0 : index
    %get3A_3 = arith.constant 0 : index
    %get3A_4 = vector.load %arg2[%get3A_2, %get3A_3] : memref<400x128xf32, #tpu.memory_space<vmem>>, vector<400x128xf32>
    %add3A = arith.addf %get3A_1, %get3A_4 : vector<400x128xf32>
    %get3A_5 = arith.constant 0 : index
    %get3A_6 = arith.constant 0 : index
    %get3A_7 = vector.load %arg3[%get3A_5, %get3A_6] : memref<400x128xf32, #tpu.memory_space<vmem>>, vector<400x128xf32>
    %sub3A = arith.subf %add3A, %get3A_7 : vector<400x128xf32>
    %get3A_8 = arith.constant 0 : index
    %get3A_9 = arith.constant 0 : index
    %get3A_10 = vector.load %arg4[%get3A_8, %get3A_9] : memref<1x128xf32, #tpu.memory_space<vmem>>, vector<1x128xf32>
    %add3A_11 = vector.broadcast %get3A_10 : vector<1x128xf32> to vector<400x128xf32>
    %add3A_12 = arith.addf %sub3A, %add3A_11 : vector<400x128xf32>
    %max3A = arith.constant 0.000000e+00 : f32
    %max3A_13 = vector.broadcast %max3A : f32 to vector<400x128xf32>
    %max3A_14 = arith.maximumf %add3A_12, %max3A_13 : vector<400x128xf32>
    %get3A_15 = arith.constant 0 : index
    %get3A_16 = arith.constant 0 : index
    %get3A_17 = vector.load %arg5[%get3A_15, %get3A_16] : memref<128x128xf32, #tpu.memory_space<vmem>>, vector<128x128xf32>
    %convert_element_type3A = arith.truncf %max3A_14 : vector<400x128xf32> to vector<400x128xbf16>
    %convert_element_type3A_18 = arith.truncf %get3A_17 : vector<128x128xf32> to vector<128x128xbf16>
    %dot_general3A = arith.constant dense<0.000000e+00> : vector<400x128xf32>
    %dot_general3A_19 = tpu.matmul %convert_element_type3A, %convert_element_type3A_18, %dot_general3A {dimension_numbers = #tpu.dot_dimension_numbers<[1], [0], [0], [1], [0, 0, 1, 1], [], []>, transpose_lhs_hint = false} : vector<400x128xbf16>, vector<128x128xbf16>, vector<400x128xf32> -> vector<400x128xf32>
    %get3A_20 = arith.constant 0 : index
    %get3A_21 = arith.constant 0 : index
    %get3A_22 = vector.load %arg6[%get3A_20, %get3A_21] : memref<1x128xf32, #tpu.memory_space<vmem>>, vector<1x128xf32>
    %add3A_23 = vector.broadcast %get3A_22 : vector<1x128xf32> to vector<400x128xf32>
    %add3A_24 = arith.addf %dot_general3A_19, %add3A_23 : vector<400x128xf32>
    %max3A_25 = arith.constant 0.000000e+00 : f32
    %max3A_26 = vector.broadcast %max3A_25 : f32 to vector<400x128xf32>
    %max3A_27 = arith.maximumf %add3A_24, %max3A_26 : vector<400x128xf32>
    %swap3A = arith.constant 0 : index
    %swap3A_28 = arith.constant 0 : index
    %swap3A_29 = vector.load %arg7[%swap3A, %swap3A_28] : memref<400x128xf32, #tpu.memory_space<vmem>>, vector<400x128xf32>
    tpu.vector_store %arg7[%swap3A, %swap3A_28], %max3A_27 {strides = array<i32>} : memref<400x128xf32, #tpu.memory_space<vmem>>, vector<400x128xf32>,
    %eq3A = arith.constant 0 : i32
    %eq3A_30 = arith.cmpi eq, %arg0, %eq3A : i32
    %convert_element_type3A_31 = arith.extui %eq3A_30 : i1 to i32
    %cond3A = arith.constant 0 : i32
    %cond3A_32 = arith.cmpi ne, %convert_element_type3A_31, %cond3A : i32
    scf.if %cond3A_32 {
      %broadcast_in_dim3A_51 = arith.constant 0.000000e+00 : f32
      %broadcast_in_dim3A_52 = vector.broadcast %broadcast_in_dim3A_51 : f32 to vector<1x128xf32>
      %swap3A_53 = arith.constant 0 : index
      %swap3A_54 = arith.constant 0 : index
      %swap3A_55 = vector.load %arg8[%swap3A_53, %swap3A_54] : memref<1x128xf32, #tpu.memory_space<vmem>>, vector<1x128xf32>
      tpu.vector_store %arg8[%swap3A_53, %swap3A_54], %broadcast_in_dim3A_52 {strides = array<i32>} : memref<1x128xf32, #tpu.memory_space<vmem>>, vector<1x128xf32>,
      %broadcast_in_dim3A_56 = arith.constant 0.000000e+00 : f32
      %broadcast_in_dim3A_57 = vector.broadcast %broadcast_in_dim3A_56 : f32 to vector<1x128xf32>
      %swap3A_58 = arith.constant 0 : index
      %swap3A_59 = arith.constant 0 : index
      %swap3A_60 = vector.load %arg9[%swap3A_58, %swap3A_59] : memref<1x128xf32, #tpu.memory_space<vmem>>, vector<1x128xf32>
      tpu.vector_store %arg9[%swap3A_58, %swap3A_59], %broadcast_in_dim3A_57 {strides = array<i32>} : memref<1x128xf32, #tpu.memory_space<vmem>>, vector<1x128xf32>,
    } else {
    }
    %get3A_33 = arith.constant 0 : index
    %get3A_34 = arith.constant 0 : index
    %get3A_35 = vector.load %arg8[%get3A_33, %get3A_34] : memref<1x128xf32, #tpu.memory_space<vmem>>, vector<1x128xf32>
    %reduce_sum3A = arith.constant dense<0.000000e+00> : vector<128xf32>
    %reduce_sum3A_36 = vector.multi_reduction <add>, %max3A_27, %reduce_sum3A [0] : vector<400x128xf32> to vector<128xf32>
    %broadcast_in_dim3A = vector.shape_cast %reduce_sum3A_36 : vector<128xf32> to vector<1x128xf32>
    %add3A_37 = arith.addf %get3A_35, %broadcast_in_dim3A : vector<1x128xf32>
    %swap3A_38 = arith.constant 0 : index
    %swap3A_39 = arith.constant 0 : index
    %swap3A_40 = vector.load %arg8[%swap3A_38, %swap3A_39] : memref<1x128xf32, #tpu.memory_space<vmem>>, vector<1x128xf32>
    tpu.vector_store %arg8[%swap3A_38, %swap3A_39], %add3A_37 {strides = array<i32>} : memref<1x128xf32, #tpu.memory_space<vmem>>, vector<1x128xf32>,
    %get3A_41 = arith.constant 0 : index
    %get3A_42 = arith.constant 0 : index
    %get3A_43 = vector.load %arg9[%get3A_41, %get3A_42] : memref<1x128xf32, #tpu.memory_space<vmem>>, vector<1x128xf32>
    %mul3A = arith.mulf %max3A_27, %max3A_27 : vector<400x128xf32>
    %reduce_sum3A_44 = arith.constant dense<0.000000e+00> : vector<128xf32>
    %reduce_sum3A_45 = vector.multi_reduction <add>, %mul3A, %reduce_sum3A_44 [0] : vector<400x128xf32> to vector<128xf32>
    %broadcast_in_dim3A_46 = vector.shape_cast %reduce_sum3A_45 : vector<128xf32> to vector<1x128xf32>
    %add3A_47 = arith.addf %get3A_43, %broadcast_in_dim3A_46 : vector<1x128xf32>
    %swap3A_48 = arith.constant 0 : index
    %swap3A_49 = arith.constant 0 : index
    %swap3A_50 = vector.load %arg9[%swap3A_48, %swap3A_49] : memref<1x128xf32, #tpu.memory_space<vmem>>, vector<1x128xf32>
    tpu.vector_store %arg9[%swap3A_48, %swap3A_49], %add3A_47 {strides = array<i32>} : memref<1x128xf32, #tpu.memory_space<vmem>>, vector<1x128xf32>,
    return
  }
  func.func @transform_0(%arg0: i32) -> (i32, i32) {
    %c0_i32 = arith.constant 0 : i32
    %c0_i32_0 = arith.constant 0 : i32
    return %arg0, %c0_i32 : i32, i32
  }
  func.func @transform_1(%arg0: i32) -> (i32, i32) {
    %add3A = arith.constant 26 : i32
    %add3A_0 = arith.addi %arg0, %add3A : i32
    %c0_i32 = arith.constant 0 : i32
    %c0_i32_1 = arith.constant 0 : i32
    return %add3A_0, %c0_i32 : i32, i32
  }
  func.func @transform_2(%arg0: i32) -> (i32, i32) {
    %c0_i32 = arith.constant 0 : i32
    %c0_i32_0 = arith.constant 0 : i32
    return %arg0, %c0_i32 : i32, i32
  }
  func.func @transform_3(%arg0: i32) -> (i32, i32) {
    %c0_i32 = arith.constant 0 : i32
    %c0_i32_0 = arith.constant 0 : i32
    %c0_i32_1 = arith.constant 0 : i32
    return %c0_i32, %c0_i32_0 : i32, i32
  }
  func.func @transform_4(%arg0: i32) -> (i32, i32) {
    %c0_i32 = arith.constant 0 : i32
    %c0_i32_0 = arith.constant 0 : i32
    %c0_i32_1 = arith.constant 0 : i32
    return %c0_i32, %c0_i32_0 : i32, i32
  }
  func.func @transform_5(%arg0: i32) -> (i32, i32) {
    %c0_i32 = arith.constant 0 : i32
    %c0_i32_0 = arith.constant 0 : i32
    %c0_i32_1 = arith.constant 0 : i32
    return %c0_i32, %c0_i32_0 : i32, i32
  }
  func.func @transform_6(%arg0: i32) -> (i32, i32) {
    %c0_i32 = arith.constant 0 : i32
    %c0_i32_0 = arith.constant 0 : i32
    return %arg0, %c0_i32 : i32, i32
  }
  func.func @transform_7(%arg0: i32) -> (i32, i32) {
    %c0_i32 = arith.constant 0 : i32
    %c0_i32_0 = arith.constant 0 : i32
    %c0_i32_1 = arith.constant 0 : i32
    return %c0_i32, %c0_i32_0 : i32, i32
  }
  func.func @transform_8(%arg0: i32) -> (i32, i32) {
    %c0_i32 = arith.constant 0 : i32
    %c0_i32_0 = arith.constant 0 : i32
    %c0_i32_1 = arith.constant 0 : i32
    return %c0_i32, %c0_i32_0 : i32, i32
  }
}

module attributes {stable_mosaic.version = 14 : i64} {
  func.func @_bn_body(%arg0: i32, %arg1: memref<400x128xf32, #tpu.memory_space<vmem>>, %arg2: memref<1x128xf32, #tpu.memory_space<vmem>>, %arg3: memref<1x128xf32, #tpu.memory_space<vmem>>, %arg4: memref<1x128xf32, #tpu.memory_space<vmem>>, %arg5: memref<1x128xf32, #tpu.memory_space<vmem>>, %arg6: memref<400x128xf32, #tpu.memory_space<vmem>>) attributes {dimension_semantics = [#tpu.dimension_semantics<arbitrary>], iteration_bounds = array<i64: 25>, scalar_prefetch = 0 : i64, scratch_operands = 0 : i64, tpu.core_type = #tpu.core_type<tc>, window_params = [{transform_indices = @transform_0, window_bounds = array<i64: 400, 128>}, {pipeline_mode = #tpu.pipeline_mode<synchronous>, transform_indices = @transform_1, window_bounds = array<i64: 1, 128>}, {pipeline_mode = #tpu.pipeline_mode<synchronous>, transform_indices = @transform_2, window_bounds = array<i64: 1, 128>}, {pipeline_mode = #tpu.pipeline_mode<synchronous>, transform_indices = @transform_3, window_bounds = array<i64: 1, 128>}, {pipeline_mode = #tpu.pipeline_mode<synchronous>, transform_indices = @transform_4, window_bounds = array<i64: 1, 128>}, {transform_indices = @transform_5, window_bounds = array<i64: 400, 128>}]} {
    %get3A = arith.constant 0 : index
    %get3A_0 = arith.constant 0 : index
    %get3A_1 = vector.load %arg2[%get3A, %get3A_0] : memref<1x128xf32, #tpu.memory_space<vmem>>, vector<1x128xf32>
    %mul3A = arith.constant 9.99999974E-5 : f32
    %mul3A_2 = vector.broadcast %mul3A : f32 to vector<1x128xf32>
    %mul3A_3 = arith.mulf %get3A_1, %mul3A_2 : vector<1x128xf32>
    %get3A_4 = arith.constant 0 : index
    %get3A_5 = arith.constant 0 : index
    %get3A_6 = vector.load %arg3[%get3A_4, %get3A_5] : memref<1x128xf32, #tpu.memory_space<vmem>>, vector<1x128xf32>
    %mul3A_7 = arith.constant 9.99999974E-5 : f32
    %mul3A_8 = vector.broadcast %mul3A_7 : f32 to vector<1x128xf32>
    %mul3A_9 = arith.mulf %get3A_6, %mul3A_8 : vector<1x128xf32>
    %mul3A_10 = arith.mulf %mul3A_3, %mul3A_3 : vector<1x128xf32>
    %sub3A = arith.subf %mul3A_9, %mul3A_10 : vector<1x128xf32>
    %add3A = arith.constant 9.99999974E-6 : f32
    %add3A_11 = vector.broadcast %add3A : f32 to vector<1x128xf32>
    %add3A_12 = arith.addf %sub3A, %add3A_11 : vector<1x128xf32>
    %rsqrt3A = math.rsqrt %add3A_12 : vector<1x128xf32>
    %get3A_13 = arith.constant 0 : index
    %get3A_14 = arith.constant 0 : index
    %get3A_15 = vector.load %arg4[%get3A_13, %get3A_14] : memref<1x128xf32, #tpu.memory_space<vmem>>, vector<1x128xf32>
    %mul3A_16 = arith.mulf %rsqrt3A, %get3A_15 : vector<1x128xf32>
    %get3A_17 = arith.constant 0 : index
    %get3A_18 = arith.constant 0 : index
    %get3A_19 = vector.load %arg1[%get3A_17, %get3A_18] : memref<400x128xf32, #tpu.memory_space<vmem>>, vector<400x128xf32>
    %sub3A_20 = vector.broadcast %mul3A_3 : vector<1x128xf32> to vector<400x128xf32>
    %sub3A_21 = arith.subf %get3A_19, %sub3A_20 : vector<400x128xf32>
    %mul3A_22 = vector.broadcast %mul3A_16 : vector<1x128xf32> to vector<400x128xf32>
    %mul3A_23 = arith.mulf %sub3A_21, %mul3A_22 : vector<400x128xf32>
    %get3A_24 = arith.constant 0 : index
    %get3A_25 = arith.constant 0 : index
    %get3A_26 = vector.load %arg5[%get3A_24, %get3A_25] : memref<1x128xf32, #tpu.memory_space<vmem>>, vector<1x128xf32>
    %add3A_27 = vector.broadcast %get3A_26 : vector<1x128xf32> to vector<400x128xf32>
    %add3A_28 = arith.addf %mul3A_23, %add3A_27 : vector<400x128xf32>
    %swap3A = arith.constant 0 : index
    %swap3A_29 = arith.constant 0 : index
    %swap3A_30 = vector.load %arg6[%swap3A, %swap3A_29] : memref<400x128xf32, #tpu.memory_space<vmem>>, vector<400x128xf32>
    tpu.vector_store %arg6[%swap3A, %swap3A_29], %add3A_28 {strides = array<i32>} : memref<400x128xf32, #tpu.memory_space<vmem>>, vector<400x128xf32>,
    return
  }
  func.func @transform_0(%arg0: i32) -> (i32, i32) {
    %c0_i32 = arith.constant 0 : i32
    %c0_i32_0 = arith.constant 0 : i32
    return %arg0, %c0_i32 : i32, i32
  }
  func.func @transform_1(%arg0: i32) -> (i32, i32) {
    %c0_i32 = arith.constant 0 : i32
    %c0_i32_0 = arith.constant 0 : i32
    %c0_i32_1 = arith.constant 0 : i32
    return %c0_i32, %c0_i32_0 : i32, i32
  }
  func.func @transform_2(%arg0: i32) -> (i32, i32) {
    %c0_i32 = arith.constant 0 : i32
    %c0_i32_0 = arith.constant 0 : i32
    %c0_i32_1 = arith.constant 0 : i32
    return %c0_i32, %c0_i32_0 : i32, i32
  }
  func.func @transform_3(%arg0: i32) -> (i32, i32) {
    %c0_i32 = arith.constant 0 : i32
    %c0_i32_0 = arith.constant 0 : i32
    %c0_i32_1 = arith.constant 0 : i32
    return %c0_i32, %c0_i32_0 : i32, i32
  }
  func.func @transform_4(%arg0: i32) -> (i32, i32) {
    %c0_i32 = arith.constant 0 : i32
    %c0_i32_0 = arith.constant 0 : i32
    %c0_i32_1 = arith.constant 0 : i32
    return %c0_i32, %c0_i32_0 : i32, i32
  }
  func.func @transform_5(%arg0: i32) -> (i32, i32) {
    %c0_i32 = arith.constant 0 : i32
    %c0_i32_0 = arith.constant 0 : i32
    return %arg0, %c0_i32 : i32, i32
  }
}

module attributes {stable_mosaic.version = 14 : i64} {
  func.func @_mlp_body(%arg0: i32, %arg1: memref<400x128xf32, #tpu.memory_space<vmem>>, %arg2: memref<400x128xf32, #tpu.memory_space<vmem>>, %arg3: memref<400x128xf32, #tpu.memory_space<vmem>>, %arg4: memref<128x128xf32, #tpu.memory_space<vmem>>, %arg5: memref<1x128xf32, #tpu.memory_space<vmem>>, %arg6: memref<128x128xf32, #tpu.memory_space<vmem>>, %arg7: memref<1x128xf32, #tpu.memory_space<vmem>>, %arg8: memref<400x128xf32, #tpu.memory_space<vmem>>, %arg9: memref<1x128xf32, #tpu.memory_space<vmem>>, %arg10: memref<1x128xf32, #tpu.memory_space<vmem>>) attributes {dimension_semantics = [#tpu.dimension_semantics<arbitrary>], iteration_bounds = array<i64: 25>, scalar_prefetch = 0 : i64, scratch_operands = 0 : i64, tpu.core_type = #tpu.core_type<tc>, window_params = [{transform_indices = @transform_0, window_bounds = array<i64: 400, 128>}, {transform_indices = @transform_1, window_bounds = array<i64: 400, 128>}, {transform_indices = @transform_2, window_bounds = array<i64: 400, 128>}, {pipeline_mode = #tpu.pipeline_mode<synchronous>, transform_indices = @transform_3, window_bounds = array<i64: 128, 128>}, {pipeline_mode = #tpu.pipeline_mode<synchronous>, transform_indices = @transform_4, window_bounds = array<i64: 1, 128>}, {pipeline_mode = #tpu.pipeline_mode<synchronous>, transform_indices = @transform_5, window_bounds = array<i64: 128, 128>}, {pipeline_mode = #tpu.pipeline_mode<synchronous>, transform_indices = @transform_6, window_bounds = array<i64: 1, 128>}, {transform_indices = @transform_7, window_bounds = array<i64: 400, 128>}, {pipeline_mode = #tpu.pipeline_mode<synchronous>, transform_indices = @transform_8, window_bounds = array<i64: 1, 128>}, {pipeline_mode = #tpu.pipeline_mode<synchronous>, transform_indices = @transform_9, window_bounds = array<i64: 1, 128>}]} {
    %get3A = arith.constant 0 : index
    %get3A_0 = arith.constant 0 : index
    %get3A_1 = vector.load %arg1[%get3A, %get3A_0] : memref<400x128xf32, #tpu.memory_space<vmem>>, vector<400x128xf32>
    %get3A_2 = arith.constant 0 : index
    %get3A_3 = arith.constant 0 : index
    %get3A_4 = vector.load %arg2[%get3A_2, %get3A_3] : memref<400x128xf32, #tpu.memory_space<vmem>>, vector<400x128xf32>
    %add3A = arith.addf %get3A_1, %get3A_4 : vector<400x128xf32>
    %get3A_5 = arith.constant 0 : index
    %get3A_6 = arith.constant 0 : index
    %get3A_7 = vector.load %arg3[%get3A_5, %get3A_6] : memref<400x128xf32, #tpu.memory_space<vmem>>, vector<400x128xf32>
    %sub3A = arith.subf %add3A, %get3A_7 : vector<400x128xf32>
    %get3A_8 = arith.constant 0 : index
    %get3A_9 = arith.constant 0 : index
    %get3A_10 = vector.load %arg4[%get3A_8, %get3A_9] : memref<128x128xf32, #tpu.memory_space<vmem>>, vector<128x128xf32>
    %convert_element_type3A = arith.truncf %sub3A : vector<400x128xf32> to vector<400x128xbf16>
    %convert_element_type3A_11 = arith.truncf %get3A_10 : vector<128x128xf32> to vector<128x128xbf16>
    %dot_general3A = arith.constant dense<0.000000e+00> : vector<400x128xf32>
    %dot_general3A_12 = tpu.matmul %convert_element_type3A, %convert_element_type3A_11, %dot_general3A {dimension_numbers = #tpu.dot_dimension_numbers<[1], [0], [0], [1], [0, 0, 1, 1], [], []>, transpose_lhs_hint = false} : vector<400x128xbf16>, vector<128x128xbf16>, vector<400x128xf32> -> vector<400x128xf32>
    %get3A_13 = arith.constant 0 : index
    %get3A_14 = arith.constant 0 : index
    %get3A_15 = vector.load %arg5[%get3A_13, %get3A_14] : memref<1x128xf32, #tpu.memory_space<vmem>>, vector<1x128xf32>
    %add3A_16 = vector.broadcast %get3A_15 : vector<1x128xf32> to vector<400x128xf32>
    %add3A_17 = arith.addf %dot_general3A_12, %add3A_16 : vector<400x128xf32>
    %max3A = arith.constant 0.000000e+00 : f32
    %max3A_18 = vector.broadcast %max3A : f32 to vector<400x128xf32>
    %max3A_19 = arith.maximumf %add3A_17, %max3A_18 : vector<400x128xf32>
    %get3A_20 = arith.constant 0 : index
    %get3A_21 = arith.constant 0 : index
    %get3A_22 = vector.load %arg6[%get3A_20, %get3A_21] : memref<128x128xf32, #tpu.memory_space<vmem>>, vector<128x128xf32>
    %convert_element_type3A_23 = arith.truncf %max3A_19 : vector<400x128xf32> to vector<400x128xbf16>
    %convert_element_type3A_24 = arith.truncf %get3A_22 : vector<128x128xf32> to vector<128x128xbf16>
    %dot_general3A_25 = arith.constant dense<0.000000e+00> : vector<400x128xf32>
    %dot_general3A_26 = tpu.matmul %convert_element_type3A_23, %convert_element_type3A_24, %dot_general3A_25 {dimension_numbers = #tpu.dot_dimension_numbers<[1], [0], [0], [1], [0, 0, 1, 1], [], []>, transpose_lhs_hint = false} : vector<400x128xbf16>, vector<128x128xbf16>, vector<400x128xf32> -> vector<400x128xf32>
    %get3A_27 = arith.constant 0 : index
    %get3A_28 = arith.constant 0 : index
    %get3A_29 = vector.load %arg7[%get3A_27, %get3A_28] : memref<1x128xf32, #tpu.memory_space<vmem>>, vector<1x128xf32>
    %add3A_30 = vector.broadcast %get3A_29 : vector<1x128xf32> to vector<400x128xf32>
    %add3A_31 = arith.addf %dot_general3A_26, %add3A_30 : vector<400x128xf32>
    %max3A_32 = arith.constant 0.000000e+00 : f32
    %max3A_33 = vector.broadcast %max3A_32 : f32 to vector<400x128xf32>
    %max3A_34 = arith.maximumf %add3A_31, %max3A_33 : vector<400x128xf32>
    %swap3A = arith.constant 0 : index
    %swap3A_35 = arith.constant 0 : index
    %swap3A_36 = vector.load %arg8[%swap3A, %swap3A_35] : memref<400x128xf32, #tpu.memory_space<vmem>>, vector<400x128xf32>
    tpu.vector_store %arg8[%swap3A, %swap3A_35], %max3A_34 {strides = array<i32>} : memref<400x128xf32, #tpu.memory_space<vmem>>, vector<400x128xf32>,
    %eq3A = arith.constant 0 : i32
    %eq3A_37 = arith.cmpi eq, %arg0, %eq3A : i32
    %convert_element_type3A_38 = arith.extui %eq3A_37 : i1 to i32
    %cond3A = arith.constant 0 : i32
    %cond3A_39 = arith.cmpi ne, %convert_element_type3A_38, %cond3A : i32
    scf.if %cond3A_39 {
      %broadcast_in_dim3A_58 = arith.constant 0.000000e+00 : f32
      %broadcast_in_dim3A_59 = vector.broadcast %broadcast_in_dim3A_58 : f32 to vector<1x128xf32>
      %swap3A_60 = arith.constant 0 : index
      %swap3A_61 = arith.constant 0 : index
      %swap3A_62 = vector.load %arg9[%swap3A_60, %swap3A_61] : memref<1x128xf32, #tpu.memory_space<vmem>>, vector<1x128xf32>
      tpu.vector_store %arg9[%swap3A_60, %swap3A_61], %broadcast_in_dim3A_59 {strides = array<i32>} : memref<1x128xf32, #tpu.memory_space<vmem>>, vector<1x128xf32>,
      %broadcast_in_dim3A_63 = arith.constant 0.000000e+00 : f32
      %broadcast_in_dim3A_64 = vector.broadcast %broadcast_in_dim3A_63 : f32 to vector<1x128xf32>
      %swap3A_65 = arith.constant 0 : index
      %swap3A_66 = arith.constant 0 : index
      %swap3A_67 = vector.load %arg10[%swap3A_65, %swap3A_66] : memref<1x128xf32, #tpu.memory_space<vmem>>, vector<1x128xf32>
      tpu.vector_store %arg10[%swap3A_65, %swap3A_66], %broadcast_in_dim3A_64 {strides = array<i32>} : memref<1x128xf32, #tpu.memory_space<vmem>>, vector<1x128xf32>,
    } else {
    }
    %get3A_40 = arith.constant 0 : index
    %get3A_41 = arith.constant 0 : index
    %get3A_42 = vector.load %arg9[%get3A_40, %get3A_41] : memref<1x128xf32, #tpu.memory_space<vmem>>, vector<1x128xf32>
    %reduce_sum3A = arith.constant dense<0.000000e+00> : vector<128xf32>
    %reduce_sum3A_43 = vector.multi_reduction <add>, %max3A_34, %reduce_sum3A [0] : vector<400x128xf32> to vector<128xf32>
    %broadcast_in_dim3A = vector.shape_cast %reduce_sum3A_43 : vector<128xf32> to vector<1x128xf32>
    %add3A_44 = arith.addf %get3A_42, %broadcast_in_dim3A : vector<1x128xf32>
    %swap3A_45 = arith.constant 0 : index
    %swap3A_46 = arith.constant 0 : index
    %swap3A_47 = vector.load %arg9[%swap3A_45, %swap3A_46] : memref<1x128xf32, #tpu.memory_space<vmem>>, vector<1x128xf32>
    tpu.vector_store %arg9[%swap3A_45, %swap3A_46], %add3A_44 {strides = array<i32>} : memref<1x128xf32, #tpu.memory_space<vmem>>, vector<1x128xf32>,
    %get3A_48 = arith.constant 0 : index
    %get3A_49 = arith.constant 0 : index
    %get3A_50 = vector.load %arg10[%get3A_48, %get3A_49] : memref<1x128xf32, #tpu.memory_space<vmem>>, vector<1x128xf32>
    %mul3A = arith.mulf %max3A_34, %max3A_34 : vector<400x128xf32>
    %reduce_sum3A_51 = arith.constant dense<0.000000e+00> : vector<128xf32>
    %reduce_sum3A_52 = vector.multi_reduction <add>, %mul3A, %reduce_sum3A_51 [0] : vector<400x128xf32> to vector<128xf32>
    %broadcast_in_dim3A_53 = vector.shape_cast %reduce_sum3A_52 : vector<128xf32> to vector<1x128xf32>
    %add3A_54 = arith.addf %get3A_50, %broadcast_in_dim3A_53 : vector<1x128xf32>
    %swap3A_55 = arith.constant 0 : index
    %swap3A_56 = arith.constant 0 : index
    %swap3A_57 = vector.load %arg10[%swap3A_55, %swap3A_56] : memref<1x128xf32, #tpu.memory_space<vmem>>, vector<1x128xf32>
    tpu.vector_store %arg10[%swap3A_55, %swap3A_56], %add3A_54 {strides = array<i32>} : memref<1x128xf32, #tpu.memory_space<vmem>>, vector<1x128xf32>,
    return
  }
  func.func @transform_0(%arg0: i32) -> (i32, i32) {
    %c0_i32 = arith.constant 0 : i32
    %c0_i32_0 = arith.constant 0 : i32
    return %arg0, %c0_i32 : i32, i32
  }
  func.func @transform_1(%arg0: i32) -> (i32, i32) {
    %add3A = arith.constant 26 : i32
    %add3A_0 = arith.addi %arg0, %add3A : i32
    %c0_i32 = arith.constant 0 : i32
    %c0_i32_1 = arith.constant 0 : i32
    return %add3A_0, %c0_i32 : i32, i32
  }
  func.func @transform_2(%arg0: i32) -> (i32, i32) {
    %c0_i32 = arith.constant 0 : i32
    %c0_i32_0 = arith.constant 0 : i32
    return %arg0, %c0_i32 : i32, i32
  }
  func.func @transform_3(%arg0: i32) -> (i32, i32) {
    %c0_i32 = arith.constant 0 : i32
    %c0_i32_0 = arith.constant 0 : i32
    %c0_i32_1 = arith.constant 0 : i32
    return %c0_i32, %c0_i32_0 : i32, i32
  }
  func.func @transform_4(%arg0: i32) -> (i32, i32) {
    %c0_i32 = arith.constant 0 : i32
    %c0_i32_0 = arith.constant 0 : i32
    %c0_i32_1 = arith.constant 0 : i32
    return %c0_i32, %c0_i32_0 : i32, i32
  }
  func.func @transform_5(%arg0: i32) -> (i32, i32) {
    %c0_i32 = arith.constant 0 : i32
    %c0_i32_0 = arith.constant 0 : i32
    %c0_i32_1 = arith.constant 0 : i32
    return %c0_i32, %c0_i32_0 : i32, i32
  }
  func.func @transform_6(%arg0: i32) -> (i32, i32) {
    %c0_i32 = arith.constant 0 : i32
    %c0_i32_0 = arith.constant 0 : i32
    %c0_i32_1 = arith.constant 0 : i32
    return %c0_i32, %c0_i32_0 : i32, i32
  }
  func.func @transform_7(%arg0: i32) -> (i32, i32) {
    %c0_i32 = arith.constant 0 : i32
    %c0_i32_0 = arith.constant 0 : i32
    return %arg0, %c0_i32 : i32, i32
  }
  func.func @transform_8(%arg0: i32) -> (i32, i32) {
    %c0_i32 = arith.constant 0 : i32
    %c0_i32_0 = arith.constant 0 : i32
    %c0_i32_1 = arith.constant 0 : i32
    return %c0_i32, %c0_i32_0 : i32, i32
  }
  func.func @transform_9(%arg0: i32) -> (i32, i32) {
    %c0_i32 = arith.constant 0 : i32
    %c0_i32_0 = arith.constant 0 : i32
    %c0_i32_1 = arith.constant 0 : i32
    return %c0_i32, %c0_i32_0 : i32, i32
  }
}

</mosaic_0001>

<sc_bundles>
// kernel: kernel.12.cloned.1.call-start
scs
__scs_entry_jumppad:
0x0: {  	(pc) =	sbr.rel $0x88, $3  }
0x1: {  	(tag) =	ssettag $0x0;
	lr =	simm.s32 $0x1  }
0x2: {  	[smem:$0x3F8D] =	sst lr;
	_ =	strace $0xD0000000  }
0x3: {  	_ = 	snop  }
0x4: {  	_ = 	snop  }
0x5: {  	_ = 	snop  }
0x6: {  	_ = 	snop  }
0x7: {  	_ = 	snop  }
__scs_overlays_trampoline_lowered:
0x8: {  	[smem:$0x3F9C] =	sst s0  }
0x9: {  	[smem:$0x3F9D] =	sst s1  }
0xa: {  	[smem:$0x3F9E] =	sst s2  }
0xb: {  	[smem:$0x3F9F] =	sst s3  }
0xc: {  	[smem:$0x3FA0] =	sst s4  }
0xd: {  	[smem:$0x3FA1] =	sst s5  }
0xe: {  	[smem:$0x3FA2] =	sst s6  }
0xf: {  	[smem:$0x3FA3] =	sst s7  }
0x10: {  	[smem:$0x3FA4] =	sst s8  }
0x11: {  	[smem:$0x3FA5] =	sst s9;
	s0 =	simm.s32 @!p0 $0x0  }
0x12: {  	s1 =	sld [smem:$0x3F8B];
	s0 =	simm.s32 @p0 $0x1  }
0x13: {  	[smem:$0x3FA6] =	sst s0;
	s0 =	simm.s32 @!p1 $0x0  }
0x14: {  	s2 =	sld [smem:$0x3F8A];
	s0 =	simm.s32 @p1 $0x1  }
0x15: {  	[smem:$0x3FA7] =	sst s0;
	s0 =	simm.s32 @!p2 $0x0  }
0x16: {  	s3 =	sld [smem:$0x3FDB];
	s0 =	simm.s32 @p2 $0x1  }
0x17: {  	s4 =	simm.s32 $0x1BF5;
	[smem:$0x3FA9] =	sst s0  }
0x18: {  	s0 =	sld [smem:$0x3F8C];
	_ =	swait.ge [sflag:s4], $0x0  }
0x19: {  	s7 =	sld [smem:$0x3F8D]  }
0x1a: {  	s8 =	sadd.s32 $0xFFFFE003, lr  }
0x1b: {  	s9 =	sadd.s32 $0xFFFFFEF7, lr;
	s5 =	simm.s32 $0xFFFFFFFF;
	p2 =	slt.u32 s8, $0xFFFFF086  }
0x1c: {  	p1 =	slt.u32 s9, $0xF7A;
	s5 =	simm.s32 @!p2 $0x0  }
0x1d: {  	s5 =	simm.s32 @p1 $0x1;
	p0 =	seq.s32 s7, s2  }
0x1e: {  	s7 =	smul.u32 @!p0 $0xF7A, s2;
	p2 =	seq.s32 @!p0 s5, $0x0  }
0x1f: {  	s9 =	smul.u32 $0xF7A, s1;
	s8 =	simm.s32 @!p0 $0x1BF5;
	p2 =	por !p2, p0  }
0x20: {  	[sflag:s8] =	ssyncset.s32 @!p0 $0xFFFFF086;
	s6 =	sadd.s32 @!p0 s3, s7;
	s7 =	simm.s32 @!p0 $0x108  }
0x21: {  	s3 =	sadd.s32 s3, s9;
	s6 =	sadd.s32 @!p0 $0x88, s6;
	s7 =	simm.s32 @p2 $0x1082  }
0x22: {  	[simem:s7], [sflag:s8] =	dma.local @!p0 [hbm:s6], $0xF7A  }
0x23: {  	s9 =	sor.u32 $0xD0000000, s2;
	s6 =	simm.s32 $0x108;
	_ =	swait.ge @!p0 [sflag:s8], $0x0  }
0x24: {  	s3 =	sadd.s32 $0x88, s3;
	s6 =	simm.s32 @!p1 $0x1082;
	[sflag:s4] =	ssyncset.s32 $0xFFFFF086  }
0x25: {  	[simem:s6], [sflag:s4] =	dma.local [hbm:s3], $0xF7A  }
0x26: {  	[smem:$0x3F8D] =	sst s1;
	(tag) =	ssettag s2;
	_ =	strace s9  }
0x27: {  	s1 =	sld [smem:$0x3F9D]  }
0x28: {  	s2 =	sld [smem:$0x3F9E]  }
0x29: {  	s4 =	sld [smem:$0x3FA0]  }
0x2a: {  	p0 =	seq.s32 s5, $0x0;
	s5 =	sld [smem:$0x3FA1]  }
0x2b: {  	s6 =	sld [smem:$0x3FA2]  }
0x2c: {  	s7 =	sld [smem:$0x3FA3]  }
0x2d: {  	s3 =	simm.s32 $0x108;
	s8 =	sld [smem:$0x3FA4]  }
0x2e: {  	s3 =	simm.s32 @!p0 $0x1082;
	s9 =	sld [smem:$0x3FA5]  }
0x2f: {  	lr =	sadd.s32 s0, s3;
	s0 =	sld [smem:$0x3F9C]  }
0x30: {  	s3 =	sld [smem:$0x3F9F]  }
0x31: {  	[smem:$0x3FA8] =	sst s10  }
0x32: {  	s10 =	sld [smem:$0x3FA6];
	_ =	sdelay $0x3  }
0x33: {  	p0 =	seq.s32 s10, $0x1;
	s10 =	sld [smem:$0x3FA8];
	_ =	sdelay $0x3  }
0x34: {  	[smem:$0x3FA8] =	sst s10  }
0x35: {  	s10 =	sld [smem:$0x3FA7];
	_ =	sdelay $0x3  }
0x36: {  	p1 =	seq.s32 s10, $0x1;
	s10 =	sld [smem:$0x3FA8];
	_ =	sdelay $0x3  }
0x37: {  	[smem:$0x3FA8] =	sst s10  }
0x38: {  	s10 =	sld [smem:$0x3FA9]  }
0x39: {  	_ = 	snop;
	(pc) =	sbr.ind lr, $3  }
0x3a: {  	_ = 	snop  }
0x3b: {  	_ = 	snop  }
0x3c: {  	p2 =	seq.s32 s10, $0x1;
	s10 =	sld [smem:$0x3FA8]  }
0x3d: {  	_ =	shalt  }
0x3e: {  	_ =	shalt  }
0x3f: {  	_ =	shalt  }
0x40: {  	_ =	shalt  }
0x41: {  	_ =	shalt  }
0x42: {  	_ =	shalt  }
0x43: {  	_ =	shalt  }
0x44: {  	_ =	shalt  }
0x45: {  	_ =	shalt  }
0x46: {  	_ =	shalt  }
0x47: {  	_ =	shalt  }
0x48: {  	_ =	shalt  }
0x49: {  	_ =	shalt  }
0x4a: {  	_ =	shalt  }
0x4b: {  	_ =	shalt  }
0x4c: {  	_ =	shalt  }
0x4d: {  	_ =	shalt  }
0x4e: {  	_ =	shalt  }
0x4f: {  	_ =	shalt  }
0x50: {  	_ =	shalt  }
0x51: {  	_ =	shalt  }
0x52: {  	_ =	shalt  }
0x53: {  	_ =	shalt  }
0x54: {  	_ =	shalt  }
0x55: {  	_ =	shalt  }
0x56: {  	_ =	shalt  }
0x57: {  	_ =	shalt  }
0x58: {  	_ =	shalt  }
0x59: {  	_ =	shalt  }
0x5a: {  	_ =	shalt  }
0x5b: {  	_ =	shalt  }
0x5c: {  	_ =	shalt  }
0x5d: {  	_ =	shalt  }
0x5e: {  	_ =	shalt  }
0x5f: {  	_ =	shalt  }
0x60: {  	_ =	shalt  }
0x61: {  	_ =	shalt  }
0x62: {  	_ =	shalt  }
0x63: {  	_ =	shalt  }
0x64: {  	_ =	shalt  }
0x65: {  	_ =	shalt  }
0x66: {  	_ =	shalt  }
0x67: {  	_ =	shalt  }
0x68: {  	_ =	shalt  }
0x69: {  	_ =	shalt  }
0x6a: {  	_ =	shalt  }
0x6b: {  	_ =	shalt  }
0x6c: {  	_ =	shalt  }
0x6d: {  	_ =	shalt  }
0x6e: {  	_ =	shalt  }
0x6f: {  	_ =	shalt  }
0x70: {  	_ =	shalt  }
0x71: {  	_ =	shalt  }
0x72: {  	_ =	shalt  }
0x73: {  	_ =	shalt  }
0x74: {  	_ =	shalt  }
0x75: {  	_ =	shalt  }
0x76: {  	_ =	shalt  }
0x77: {  	_ =	shalt  }
0x78: {  	_ =	shalt  }
0x79: {  	_ =	shalt  }
0x7a: {  	_ =	shalt  }
0x7b: {  	_ =	shalt  }
0x7c: {  	_ =	shalt  }
0x7d: {  	_ =	shalt  }
0x7e: {  	_ =	shalt  }
0x7f: {  	_ =	shalt  }
0x80: {  	_ =	shalt  }
0x81: {  	_ =	shalt  }
0x82: {  	_ =	shalt  }
0x83: {  	_ =	shalt  }
0x84: {  	_ =	shalt  }
0x85: {  	_ =	shalt  }
0x86: {  	_ =	shalt  }
0x87: {  	_ =	shalt  }
.Lfunc_end0:
.L_simem_size_0:
called_computation_lowered:
.L_overlay_start_0:
0x88: {  	s2 =	sld [smem:$0x3FD9]  }
0x89: {  	s3 =	sld [smem:$0x3FFE];
	_ =	sdelay $0x1  }
0x8a: {  	s1 =	srdreg.scid  }
0x8b: {  	s0 =	sand.u32 $0x1, s1  }
0x8c: {  	s17 =	sshll.u32 s0, $0xA;
	s2 =	sadd.s32 s3, s2  }
0x8d: {  	s2 =	sadd.s32 s2, s17  }
0x8e: {  	[smem:$0x3FB4] =	sst s2  }
0x8f: {  	_ = 	snop  }
0x90: {  	s2 =	sld [smem:$0x3FD0];
	(tm) =	ssettm $0x1  }
0x91: {  	s18 =	sld [smem:$0x3FFB];
	_ =	sdelay $0x3  }
0x92: {  	_ =	strace s18  }
0x93: {  	s3 =	sld [smem:$0x3FFC];
	_ =	sdelay $0x3  }
0x94: {  	_ =	strace s3  }
0x95: {  	s3 =	sld [smem:$0x3FFD];
	_ =	sdelay $0x3  }
0x96: {  	_ =	strace s3  }
0x97: {  	_ =	strace $0x8FFFFFFF  }
0x98: {  	s19 =	sld [smem:$0x3FDB];
	_ =	sdelay $0x1  }
0x99: {  	s4 =	simm.s32 $_scs_section_size  }
0x9a: {  	s5 =	simm.s32 $_size__tile_overlayer_lowered;
	s6 =	simm.s32 $_tile_overlayer_lowered  }
0x9b: {  	s22 =	simm.s32 $0x1BFF;
	s21 =	sshll.u32 s6, $0x1;
	s3 =	sadd.s32 s4, s19  }
0x9c: {  	s7 =	simm.s32 $0x0;
	s20 =	sshll.u32 s5, $0x1;
	s5 =	sadd.s32 s21, s3  }
0x9d: {  	[timem:s7], [sflag:s22] =	dma.local [hbm:s5], s20  }
0x9e: {  	_ =	swait.ge [sflag:s22], s20  }
0x9f: {  	s4 =	ssub.s32 $0x0, s20;
	[sflag:s22] =	ssyncset.done $0x0  }
0xa0: {  	[sflag:s22] =	ssyncadd.s32 s4;
	_ =	sdelay $0x1  }
0xa1: {  	s23 =	simm.s32 $0x1B8B  }
0xa2: {  	_ =	swait.ge [sflag:s23], $0x1  }
0xa3: {  	[sflag:s23] =	ssyncset.done $0x0  }
0xa4: {  	s25 =	simm.s32 $0x1B8E;
	s24 =	sld [smem:$0x3FFE];
	[sflag:s23] =	ssyncadd.s32 $0xFFFFFFFF  }
0xa5: {  	s26 =	simm.s32 $execute0_lowered;
	[smem:$0x3FD2] =	sst s25  }
0xa6: {  	s5 =	sshll.u32 s26, $0x1;
	_ =	strace $0x80000046;
	[dreg:$0x1] =	wrdreg $0xFFFFFFFF  }
0xa7: {  	s28 =	simm.s32 $_size_execute0_lowered;
	s3 =	sadd.s32 s3, s5;
	[dreg:$0x0] =	wrdreg $0x0  }
0xa8: {  	s5 =	sshll.u32 s28, $0x1;
	[dreg:$0x2] =	wrdreg s3  }
0xa9: {  	[dreg:$0x3] =	wrdreg s5  }
0xaa: {  	[dreg:$0x4] =	wrdreg $0xC0  }
0xab: {  	_ =	task [dreg:s7], $0x5FFFF  }
0xac: {  	[dreg:$0x1] =	wrdreg $0xFFFFFFFF  }
0xad: {  	[dreg:$0x0] =	wrdreg $0x60  }
0xae: {  	[dreg:$0x2] =	wrdreg s24  }
0xaf: {  	[dreg:$0x3] =	wrdreg s2  }
0xb0: {  	[dreg:$0x4] =	wrdreg $0xA8000  }
0xb1: {  	[dreg:$0x5] =	wrdreg $0x9  }
0xb2: {  	_ =	task.clear_ibuf [dreg:s7], $0x6FFFF;
	_ =	strace $0x90000046  }
0xb3: {  	s29 =	simm.s32 $0x9;
	_ =	strace $0x80000048  }
0xb4: {  	_ =	swait.ge [sflag:s29], $0x1  }
0xb5: {  	[sflag:s29] =	ssyncadd.s32 $0xFFFFFFFF  }
0xb6: {  	_ =	strace $0x90000048  }
0xb7: {  	_ =	sfence  }
0xb8: {  	s30 =	sld [smem:$0x0];
	_ =	sdelay $0x2  }
0xb9: {  	s31 =	sshll.u32 s1, $0xD;
	s1 =	sshrl.u32 s1, $0x2  }
0xba: {  	s3 =	sand.u32 $0x4000, s31;
	s1 =	sadd.s32 s1, s30  }
0xbb: {  	s0 =	sor.u32 s3, s0;
	s1 =	sshll.u32 s1, $0x11  }
0xbc: {  	s0 =	sor.u32 s1, s0  }
0xbd: {  	s0 =	sadd.s32 $0x8F2B, s0  }
0xbe: {  	[sflag:s0] =	ssyncadd.remote.s32 $0x1  }
0xbf: {  	_ =	sfence.sel $0xFFFF  }
0xc0: {  	[dreg:$0x0] =	wrdreg $0xFFFFFFFF;
	(pc) =	sbr.abs _section_cstart, $3  }
0xc1: {  	[dreg:$0x1] =	wrdreg $0xFFFFFFFF  }
0xc2: {  	_ =	task.clear_ibuf [dreg:s7], $0x2FFFF;
	_ =	strace $0x9FFFFFFF  }
0xc3: {  	(tm) =	ssettm $0x7FFFFFFF  }
tec
execute0_lowered:
.L_overlay_start_1:
0x0: {  	(tag) =	ssettag $0x1  }
0x1: {  	s5 =	rddreg [dreg:$0x0]  }
0x2: {  	s7 =	rddreg [dreg:$0x1]  }
0x3: {  	s2 =	rddreg [dreg:$0x2]  }
0x4: {  	s0 =	rddreg [dreg:$0x3];
	s4 =	srdreg.scid  }
0x5: {  	s3 =	simm.s32 $0x0;
	s1 =	stileid.u32;
	s16 =	simm.s32 $0x6800  }
0x6: {  	s17 =	simm.s32 $0x1;
	s18 =	simm.s32 $0x2;
	s19 =	simm.s32 $0x2700  }
0x7: {  	s20 =	simm.s32 $0x2780;
	s22 =	simm.s32 $0x0;
	s8 =	smul.u32 $0x290, s1  }
0x8: {  	s6 =	sand.u32 $0x1, s4;
	[smem:$0x7FF] =	sst s3;
	s26 =	smul.u32 $0x278, s1  }
0x9: {  	s30 =	sshll.u32 s1, $0x6;
	s4 =	sshll.u32 s6, $0x4;
	_ =	strace $0x80000047  }
0xa: {  	s10 =	smul.u32 $0x28A0, s6;
	s6 =	ssub.s32 $0x2, s6;
	s9 =	sor.u32 s1, s4  }
0xb: {  	s4 =	sadd.s32 $0x4800, s5;
	s11 =	smin.u32 s8, $0x2610;
	s13 =	sshrl.u32 s6, $0x1  }
0xc: {  	s28 =	smin.u32 s26, $0x2498;
	s9 =	smul.u32 $0x280, s9;
	s8 =	sadd.s32 s10, s11  }
0xd: {  	s13 =	ssub.s32 s6, s13;
	s29 =	sshll.u32 s28, $0x7;
	s6 =	sor.u32 $0x1C03, s30  }
0xe: {  	s31 =	sshll.u32 s11, $0x7;
	s8 =	sshll.u32 s8, $0x4;
	s15 =	sadd.s32 s29, s2  }
0xf: {  	s21 =	sadd.s32 s31, s2;
	s10 =	smax.u32 s13, $0x1;
	s13 =	simm.s32 $0x1400  }
0x10: {  	s12 =	sadd.s32 s9, s5;
	s14 =	sadd.s32 s8, s5;
	s5 =	sshll.u32 s28, $0x4  }
0x11: {  	s7 =	sadd.s32 s7, s9;
	s11 =	sshrl.u32 s15, $0x3;
	s15 =	simm.s32 $0x2800  }
0x12: {  	s21 =	sshrl.u32 s21, $0x3;
	s5 =	sadd.s32 s4, s5;
	s8 =	sadd.s32 $0x2BA00, s12  }
0x13: {  	s9 =	sadd.s32 $0x30A00, s14;
	s12 =	simm.s32 $0x3;
	s14 =	simm.s32 $0x80  }
.LBB2_1:
0x14: {  	[spmem:s11], [sflag:s6] =	dma.local [hbm:s5], $0x2780  }
0x15: {  	_ =	swait.ge [sflag:s12], $0x2780  }
0x16: {  	[sflag:s12] =	ssyncset.done $0x0  }
0x17: {  	[sflag:s12] =	ssyncadd.s32 $0xFFFFD880  }
0x18: {  	[tilespmem:s3], [sflag:$0x3] =	stream.linear.gather [hbm4b:s7+s3], $0x1400, $0x38;
	[tilespmem:$0x1ED00] =	vst v63  }
0x19: {  	_ =	swait.ge [sflag:s12], $0x1400  }
0x1a: {  	[sflag:s12] =	ssyncset.done $0x0  }
0x1b: {  	[sflag:s12] =	ssyncadd.s32 $0xFFFFEC00  }
0x1c: {  	[tilespmem:s13], [sflag:$0x3] =	stream.linear.gather [hbm4b:s8+s3], $0x1400, $0x38;
	[tilespmem:$0x1ED00] =	vst v63  }
0x1d: {  	_ =	swait.ge [sflag:s12], $0x1400  }
0x1e: {  	[sflag:s12] =	ssyncset.done $0x0  }
0x1f: {  	[sflag:s12] =	ssyncadd.s32 $0xFFFFEC00  }
0x20: {  	[bflag:$0x0] =	sbarrier.arrive $0xFFFF  }
0x21: {  	[tilespmem:s15], [sflag:$0x1] =	stream.indirect.gather [hbm4b:s4+s14], $0x80, s3, s14, $0xb8;
	[tilespmem:$0x1ED00] =	vst v63  }
0x22: {  	_ = 	snop  }
0x23: {  	[tilespmem:s16], [sflag:$0x2] =	stream.indirect.gather [hbm4b:s4+s14], $0x80, s14, s14, $0xb8;
	[tilespmem:$0x1ED00] =	vst v63  }
0x24: {  	_ =	swait.ge [sflag:s17], $0x4000  }
0x25: {  	[sflag:s17] =	ssyncset.done $0x0  }
0x26: {  	s23 =	simm.s32 $0x1400;
	[sflag:s17] =	ssyncadd.s32 $0xFFFFC000  }
0x27: {  	[spmem:s2] =	stream.indirect.scatter.add.f32 [tilespmem:s15], [sflag:$0x3], $0x80, s23, s14, $0xb8;
	[tilespmem:$0x1ED00] =	vst v63  }
0x28: {  	_ =	swait.ge [sflag:s12], $0x4000  }
0x29: {  	[sflag:s12] =	ssyncset.done $0x0  }
0x2a: {  	s30 =	simm.s32 $0x100;
	[sflag:s12] =	ssyncadd.s32 $0xFFFFC000  }
0x2b: {  	[tilespmem:s15], [sflag:$0x1] =	stream.indirect.gather [hbm4b:s4+s14], $0x80, s30, s14, $0xb8;
	[tilespmem:$0x1ED00] =	vst v63  }
0x2c: {  	_ =	swait.ge [sflag:s18], $0x4000  }
0x2d: {  	[sflag:s18] =	ssyncset.done $0x0  }
0x2e: {  	s31 =	simm.s32 $0x1480;
	[sflag:s18] =	ssyncadd.s32 $0xFFFFC000  }
0x2f: {  	[spmem:s2] =	stream.indirect.scatter.add.f32 [tilespmem:s16], [sflag:$0x3], $0x80, s31, s14, $0xb8;
	[tilespmem:$0x1ED00] =	vst v63  }
0x30: {  	_ =	swait.ge [sflag:s12], $0x4000  }
0x31: {  	[sflag:s12] =	ssyncset.done $0x0  }
0x32: {  	s24 =	simm.s32 $0x180;
	s23 =	simm.s32 $0x400;
	[sflag:s12] =	ssyncadd.s32 $0xFFFFC000  }
.LBB2_2:
0x33: {  	[tilespmem:s16], [sflag:$0x2] =	stream.indirect.gather [hbm4b:s4+s14], $0x80, s24, s14, $0xb8;
	[tilespmem:$0x1ED00] =	vst v63  }
0x34: {  	s24 =	smov.u32 s23  }
0x35: {  	p0 =	sne.s32 s23, $0x4800;
	s23 =	sadd.s32 $0x400, s23;
	_ =	swait.ge [sflag:s17], $0x4000  }
0x36: {  	s24 =	sshra.s32 s24, $0x2;
	[sflag:s17] =	ssyncset.done $0x0  }
0x37: {  	s25 =	sadd.s32 $0x1400, s24;
	[sflag:s17] =	ssyncadd.s32 $0xFFFFC000  }
0x38: {  	[spmem:s2] =	stream.indirect.scatter.add.f32 [tilespmem:s15], [sflag:$0x3], $0x80, s25, s14, $0xb8;
	[tilespmem:$0x1ED00] =	vst v63  }
0x39: {  	_ =	swait.ge [sflag:s12], $0x4000  }
0x3a: {  	[sflag:s12] =	ssyncset.done $0x0  }
0x3b: {  	s25 =	sadd.s32 $0x100, s24;
	[sflag:s12] =	ssyncadd.s32 $0xFFFFC000  }
0x3c: {  	[tilespmem:s15], [sflag:$0x1] =	stream.indirect.gather [hbm4b:s4+s14], $0x80, s25, s14, $0xb8;
	[tilespmem:$0x1ED00] =	vst v63  }
0x3d: {  	_ =	swait.ge [sflag:s18], $0x4000  }
0x3e: {  	[sflag:s18] =	ssyncset.done $0x0  }
.Ltmp0:
0x3f: {  	s25 =	sadd.s32 $0x1480, s24;
	[sflag:s18] =	ssyncadd.s32 $0xFFFFC000;
	(pc) =	sbr.rel @p0 .LBB2_2-.Ltmp0, $4  }
0x40: {  	[spmem:s2] =	stream.indirect.scatter.add.f32 [tilespmem:s16], [sflag:$0x3], $0x80, s25, s14, $0xb8;
	[tilespmem:$0x1ED00] =	vst v63  }
0x41: {  	_ =	swait.ge [sflag:s12], $0x4000  }
0x42: {  	[sflag:s12] =	ssyncset.done $0x0  }
0x43: {  	s24 =	sadd.s32 $0x180, s24;
	[sflag:s12] =	ssyncadd.s32 $0xFFFFC000  }
0x44: {  	[tilespmem:s16], [sflag:$0x2] =	stream.indirect.gather [hbm4b:s4+s14], $0x80, s24, s14, $0xb8;
	[tilespmem:$0x1ED00] =	vst v63  }
0x45: {  	_ =	swait.ge [sflag:s17], $0x4000  }
0x46: {  	[sflag:s17] =	ssyncset.done $0x0  }
0x47: {  	[sflag:s17] =	ssyncadd.s32 $0xFFFFC000  }
0x48: {  	[spmem:s2] =	stream.indirect.scatter.add.f32 [tilespmem:s15], [sflag:$0x3], $0x80, s19, s14, $0xb8;
	[tilespmem:$0x1ED00] =	vst v63  }
0x49: {  	_ =	swait.ge [sflag:s12], $0x4000  }
0x4a: {  	[sflag:s12] =	ssyncset.done $0x0  }
0x4b: {  	[sflag:s12] =	ssyncadd.s32 $0xFFFFC000  }
0x4c: {  	_ =	swait.ge [sflag:s18], $0x4000  }
0x4d: {  	[sflag:s18] =	ssyncset.done $0x0  }
0x4e: {  	[sflag:s18] =	ssyncadd.s32 $0xFFFFC000  }
0x4f: {  	[spmem:s2] =	stream.indirect.scatter.add.f32 [tilespmem:s16], [sflag:$0x3], $0x80, s20, s14, $0xb8;
	[tilespmem:$0x1ED00] =	vst v63  }
0x50: {  	_ =	swait.ge [sflag:s12], $0x4000  }
0x51: {  	s22 =	sadd.s32 $0x1, s22;
	[sflag:s12] =	ssyncset.done $0x0  }
0x52: {  	p0 =	sne.s32 s22, s10;
	[sflag:s12] =	ssyncadd.s32 $0xFFFFC000  }
.Ltmp1:
0x53: {  	[bflag:$0x0] =	sbarrier.arrive $0xFFFF;
	(pc) =	sbr.rel @p0 .LBB2_1-.Ltmp1, $4  }
0x54: {  	[hbm:s9], [sflag:s6] =	dma.local [spmem:s21], $0x2900  }
0x55: {  	_ =	swait.ge [sflag:s12], $0x2900  }
0x56: {  	[sflag:s12] =	ssyncset.done $0x0  }
0x57: {  	[sflag:s12] =	ssyncadd.s32 $0xFFFFD700  }
0x58: {  	_ =	sfence.sel $0x180000  }
0x59: {  	[bflag:$0x0] =	sbarrier.arrive $0xFFFF  }
0x5a: {  	p0 =	sne.s32 s1, $0x0;
	_ =	strace $0x90000047  }
0x5b: {  	s0 =	sadd.s32 @!p0 $0x100000, s0;
	[bflag:$0x2] =	sbarrier.arrive $0xFFFF  }
0x5c: {  	[sflag:s0] =	ssyncadd.tile.s32 @!p0 $0x1;
	_ =	shalt  }
.Lfunc_end2:
_tile_overlayer_lowered:
.L_overlay_start_2:
0x5d: {  	(tag) =	ssettag $0x2  }
0x5e: {  	s0 =	rddreg [dreg:$0x0];
	s2 =	stileid.u32  }
0x5f: {  	s1 =	rddreg [dreg:$0x1];
	p0 =	sne.s32 s2, $0x0  }
0x60: {  	s3 =	rddreg [dreg:$0x2];
	[bflag:$0x3] =	sbarrier.arrive $0xFFFF;
	s2 =	simm.s32 @!p0 $0x1C03  }
0x61: {  	[timem:s3], [sflag:s2] =	dma.local @!p0 [hbm:s0], s1  }
0x62: {  	s0 =	simm.s32 @!p0 $0x3  }
0x63: {  	_ =	swait.ge @!p0 [sflag:s0], s1  }
0x64: {  	s1 =	ssub.s32 @!p0 $0x0, s1;
	[sflag:s0] =	ssyncset.done @!p0 $0x0  }
0x65: {  	[sflag:s0] =	ssyncadd.s32 @!p0 s1  }
0x66: {  	[bflag:$0x3] =	sbarrier.arrive $0xFFFF  }
0x67: {  	_ =	shalt  }

// kernel: kernel.15.cloned.1.call-start
scs
__scs_entry_jumppad:
0x0: {  	(pc) =	sbr.rel $0x88, $3  }
0x1: {  	(tag) =	ssettag $0x0;
	lr =	simm.s32 $0x1  }
0x2: {  	[smem:$0x3F8D] =	sst lr;
	_ =	strace $0xD0000000  }
0x3: {  	_ = 	snop  }
0x4: {  	_ = 	snop  }
0x5: {  	_ = 	snop  }
0x6: {  	_ = 	snop  }
0x7: {  	_ = 	snop  }
__scs_overlays_trampoline_lowered:
0x8: {  	[smem:$0x3F9C] =	sst s0  }
0x9: {  	[smem:$0x3F9D] =	sst s1  }
0xa: {  	[smem:$0x3F9E] =	sst s2  }
0xb: {  	[smem:$0x3F9F] =	sst s3  }
0xc: {  	[smem:$0x3FA0] =	sst s4  }
0xd: {  	[smem:$0x3FA1] =	sst s5  }
0xe: {  	[smem:$0x3FA2] =	sst s6  }
0xf: {  	[smem:$0x3FA3] =	sst s7  }
0x10: {  	[smem:$0x3FA4] =	sst s8  }
0x11: {  	[smem:$0x3FA5] =	sst s9;
	s0 =	simm.s32 @!p0 $0x0  }
0x12: {  	s1 =	sld [smem:$0x3F8B];
	s0 =	simm.s32 @p0 $0x1  }
0x13: {  	[smem:$0x3FA6] =	sst s0;
	s0 =	simm.s32 @!p1 $0x0  }
0x14: {  	s2 =	sld [smem:$0x3F8A];
	s0 =	simm.s32 @p1 $0x1  }
0x15: {  	[smem:$0x3FA7] =	sst s0;
	s0 =	simm.s32 @!p2 $0x0  }
0x16: {  	s3 =	sld [smem:$0x3FDB];
	s0 =	simm.s32 @p2 $0x1  }
0x17: {  	s4 =	simm.s32 $0x1BF5;
	[smem:$0x3FA9] =	sst s0  }
0x18: {  	s0 =	sld [smem:$0x3F8C];
	_ =	swait.ge [sflag:s4], $0x0  }
0x19: {  	s7 =	sld [smem:$0x3F8D]  }
0x1a: {  	s8 =	sadd.s32 $0xFFFFE003, lr  }
0x1b: {  	s9 =	sadd.s32 $0xFFFFFEF7, lr;
	s5 =	simm.s32 $0xFFFFFFFF;
	p2 =	slt.u32 s8, $0xFFFFF086  }
0x1c: {  	p1 =	slt.u32 s9, $0xF7A;
	s5 =	simm.s32 @!p2 $0x0  }
0x1d: {  	s5 =	simm.s32 @p1 $0x1;
	p0 =	seq.s32 s7, s2  }
0x1e: {  	s7 =	smul.u32 @!p0 $0xF7A, s2;
	p2 =	seq.s32 @!p0 s5, $0x0  }
0x1f: {  	s9 =	smul.u32 $0xF7A, s1;
	s8 =	simm.s32 @!p0 $0x1BF5;
	p2 =	por !p2, p0  }
0x20: {  	[sflag:s8] =	ssyncset.s32 @!p0 $0xFFFFF086;
	s6 =	sadd.s32 @!p0 s3, s7;
	s7 =	simm.s32 @!p0 $0x108  }
0x21: {  	s3 =	sadd.s32 s3, s9;
	s6 =	sadd.s32 @!p0 $0x88, s6;
	s7 =	simm.s32 @p2 $0x1082  }
0x22: {  	[simem:s7], [sflag:s8] =	dma.local @!p0 [hbm:s6], $0xF7A  }
0x23: {  	s9 =	sor.u32 $0xD0000000, s2;
	s6 =	simm.s32 $0x108;
	_ =	swait.ge @!p0 [sflag:s8], $0x0  }
0x24: {  	s3 =	sadd.s32 $0x88, s3;
	s6 =	simm.s32 @!p1 $0x1082;
	[sflag:s4] =	ssyncset.s32 $0xFFFFF086  }
0x25: {  	[simem:s6], [sflag:s4] =	dma.local [hbm:s3], $0xF7A  }
0x26: {  	[smem:$0x3F8D] =	sst s1;
	(tag) =	ssettag s2;
	_ =	strace s9  }
0x27: {  	s1 =	sld [smem:$0x3F9D]  }
0x28: {  	s2 =	sld [smem:$0x3F9E]  }
0x29: {  	s4 =	sld [smem:$0x3FA0]  }
0x2a: {  	p0 =	seq.s32 s5, $0x0;
	s5 =	sld [smem:$0x3FA1]  }
0x2b: {  	s6 =	sld [smem:$0x3FA2]  }
0x2c: {  	s7 =	sld [smem:$0x3FA3]  }
0x2d: {  	s3 =	simm.s32 $0x108;
	s8 =	sld [smem:$0x3FA4]  }
0x2e: {  	s3 =	simm.s32 @!p0 $0x1082;
	s9 =	sld [smem:$0x3FA5]  }
0x2f: {  	lr =	sadd.s32 s0, s3;
	s0 =	sld [smem:$0x3F9C]  }
0x30: {  	s3 =	sld [smem:$0x3F9F]  }
0x31: {  	[smem:$0x3FA8] =	sst s10  }
0x32: {  	s10 =	sld [smem:$0x3FA6];
	_ =	sdelay $0x3  }
0x33: {  	p0 =	seq.s32 s10, $0x1;
	s10 =	sld [smem:$0x3FA8];
	_ =	sdelay $0x3  }
0x34: {  	[smem:$0x3FA8] =	sst s10  }
0x35: {  	s10 =	sld [smem:$0x3FA7];
	_ =	sdelay $0x3  }
0x36: {  	p1 =	seq.s32 s10, $0x1;
	s10 =	sld [smem:$0x3FA8];
	_ =	sdelay $0x3  }
0x37: {  	[smem:$0x3FA8] =	sst s10  }
0x38: {  	s10 =	sld [smem:$0x3FA9]  }
0x39: {  	_ = 	snop;
	(pc) =	sbr.ind lr, $3  }
0x3a: {  	_ = 	snop  }
0x3b: {  	_ = 	snop  }
0x3c: {  	p2 =	seq.s32 s10, $0x1;
	s10 =	sld [smem:$0x3FA8]  }
0x3d: {  	_ =	shalt  }
0x3e: {  	_ =	shalt  }
0x3f: {  	_ =	shalt  }
0x40: {  	_ =	shalt  }
0x41: {  	_ =	shalt  }
0x42: {  	_ =	shalt  }
0x43: {  	_ =	shalt  }
0x44: {  	_ =	shalt  }
0x45: {  	_ =	shalt  }
0x46: {  	_ =	shalt  }
0x47: {  	_ =	shalt  }
0x48: {  	_ =	shalt  }
0x49: {  	_ =	shalt  }
0x4a: {  	_ =	shalt  }
0x4b: {  	_ =	shalt  }
0x4c: {  	_ =	shalt  }
0x4d: {  	_ =	shalt  }
0x4e: {  	_ =	shalt  }
0x4f: {  	_ =	shalt  }
0x50: {  	_ =	shalt  }
0x51: {  	_ =	shalt  }
0x52: {  	_ =	shalt  }
0x53: {  	_ =	shalt  }
0x54: {  	_ =	shalt  }
0x55: {  	_ =	shalt  }
0x56: {  	_ =	shalt  }
0x57: {  	_ =	shalt  }
0x58: {  	_ =	shalt  }
0x59: {  	_ =	shalt  }
0x5a: {  	_ =	shalt  }
0x5b: {  	_ =	shalt  }
0x5c: {  	_ =	shalt  }
0x5d: {  	_ =	shalt  }
0x5e: {  	_ =	shalt  }
0x5f: {  	_ =	shalt  }
0x60: {  	_ =	shalt  }
0x61: {  	_ =	shalt  }
0x62: {  	_ =	shalt  }
0x63: {  	_ =	shalt  }
0x64: {  	_ =	shalt  }
0x65: {  	_ =	shalt  }
0x66: {  	_ =	shalt  }
0x67: {  	_ =	shalt  }
0x68: {  	_ =	shalt  }
0x69: {  	_ =	shalt  }
0x6a: {  	_ =	shalt  }
0x6b: {  	_ =	shalt  }
0x6c: {  	_ =	shalt  }
0x6d: {  	_ =	shalt  }
0x6e: {  	_ =	shalt  }
0x6f: {  	_ =	shalt  }
0x70: {  	_ =	shalt  }
0x71: {  	_ =	shalt  }
0x72: {  	_ =	shalt  }
0x73: {  	_ =	shalt  }
0x74: {  	_ =	shalt  }
0x75: {  	_ =	shalt  }
0x76: {  	_ =	shalt  }
0x77: {  	_ =	shalt  }
0x78: {  	_ =	shalt  }
0x79: {  	_ =	shalt  }
0x7a: {  	_ =	shalt  }
0x7b: {  	_ =	shalt  }
0x7c: {  	_ =	shalt  }
0x7d: {  	_ =	shalt  }
0x7e: {  	_ =	shalt  }
0x7f: {  	_ =	shalt  }
0x80: {  	_ =	shalt  }
0x81: {  	_ =	shalt  }
0x82: {  	_ =	shalt  }
0x83: {  	_ =	shalt  }
0x84: {  	_ =	shalt  }
0x85: {  	_ =	shalt  }
0x86: {  	_ =	shalt  }
0x87: {  	_ =	shalt  }
.Lfunc_end0:
.L_simem_size_0:
called_computation.1_lowered:
.L_overlay_start_0:
0x88: {  	s2 =	sld [smem:$0x3FD9]  }
0x89: {  	s3 =	sld [smem:$0x3FFE];
	_ =	sdelay $0x1  }
0x8a: {  	s1 =	srdreg.scid  }
0x8b: {  	s0 =	sand.u32 $0x1, s1  }
0x8c: {  	s17 =	sshll.u32 s0, $0xA;
	s2 =	sadd.s32 s3, s2  }
0x8d: {  	s2 =	sadd.s32 s2, s17  }
0x8e: {  	[smem:$0x3FB4] =	sst s2  }
0x8f: {  	_ = 	snop  }
0x90: {  	s2 =	sld [smem:$0x3FD0];
	(tm) =	ssettm $0x1  }
0x91: {  	s18 =	sld [smem:$0x3FFB];
	_ =	sdelay $0x3  }
0x92: {  	_ =	strace s18  }
0x93: {  	s3 =	sld [smem:$0x3FFC];
	_ =	sdelay $0x3  }
0x94: {  	_ =	strace s3  }
0x95: {  	s3 =	sld [smem:$0x3FFD];
	_ =	sdelay $0x3  }
0x96: {  	_ =	strace s3  }
0x97: {  	_ =	strace $0x8FFFFFFF  }
0x98: {  	s19 =	sld [smem:$0x3FDB];
	_ =	sdelay $0x1  }
0x99: {  	s4 =	simm.s32 $_scs_section_size  }
0x9a: {  	s5 =	simm.s32 $_size__tile_overlayer_lowered;
	s6 =	simm.s32 $_tile_overlayer_lowered  }
0x9b: {  	s22 =	simm.s32 $0x1BFF;
	s21 =	sshll.u32 s6, $0x1;
	s3 =	sadd.s32 s4, s19  }
0x9c: {  	s7 =	simm.s32 $0x0;
	s20 =	sshll.u32 s5, $0x1;
	s5 =	sadd.s32 s21, s3  }
0x9d: {  	[timem:s7], [sflag:s22] =	dma.local [hbm:s5], s20  }
0x9e: {  	_ =	swait.ge [sflag:s22], s20  }
0x9f: {  	s4 =	ssub.s32 $0x0, s20;
	[sflag:s22] =	ssyncset.done $0x0  }
0xa0: {  	[sflag:s22] =	ssyncadd.s32 s4;
	_ =	sdelay $0x1  }
0xa1: {  	s23 =	simm.s32 $0x1B8B  }
0xa2: {  	_ =	swait.ge [sflag:s23], $0x1  }
0xa3: {  	[sflag:s23] =	ssyncset.done $0x0  }
0xa4: {  	s25 =	simm.s32 $0x1B8E;
	s24 =	sld [smem:$0x3FFE];
	[sflag:s23] =	ssyncadd.s32 $0xFFFFFFFF  }
0xa5: {  	s26 =	simm.s32 $execute0_lowered;
	[smem:$0x3FD2] =	sst s25  }
0xa6: {  	s5 =	sshll.u32 s26, $0x1;
	_ =	strace $0x80000049;
	[dreg:$0x1] =	wrdreg $0xFFFFFFFF  }
0xa7: {  	s28 =	simm.s32 $_size_execute0_lowered;
	s3 =	sadd.s32 s3, s5;
	[dreg:$0x0] =	wrdreg $0x0  }
0xa8: {  	s5 =	sshll.u32 s28, $0x1;
	[dreg:$0x2] =	wrdreg s3  }
0xa9: {  	[dreg:$0x3] =	wrdreg s5  }
0xaa: {  	[dreg:$0x4] =	wrdreg $0xC0  }
0xab: {  	_ =	task [dreg:s7], $0x5FFFF  }
0xac: {  	[dreg:$0x1] =	wrdreg $0xFFFFFFFF  }
0xad: {  	[dreg:$0x0] =	wrdreg $0x60  }
0xae: {  	[dreg:$0x2] =	wrdreg s24  }
0xaf: {  	[dreg:$0x3] =	wrdreg s2  }
0xb0: {  	[dreg:$0x4] =	wrdreg $0xA8000  }
0xb1: {  	[dreg:$0x5] =	wrdreg $0x9  }
0xb2: {  	_ =	task.clear_ibuf [dreg:s7], $0x6FFFF;
	_ =	strace $0x90000049  }
0xb3: {  	s29 =	simm.s32 $0x9;
	_ =	strace $0x8000004B  }
0xb4: {  	_ =	swait.ge [sflag:s29], $0x1  }
0xb5: {  	[sflag:s29] =	ssyncadd.s32 $0xFFFFFFFF  }
0xb6: {  	_ =	strace $0x9000004B  }
0xb7: {  	_ =	sfence  }
0xb8: {  	s30 =	sld [smem:$0x0];
	_ =	sdelay $0x2  }
0xb9: {  	s31 =	sshll.u32 s1, $0xD;
	s1 =	sshrl.u32 s1, $0x2  }
0xba: {  	s3 =	sand.u32 $0x4000, s31;
	s1 =	sadd.s32 s1, s30  }
0xbb: {  	s0 =	sor.u32 s3, s0;
	s1 =	sshll.u32 s1, $0x11  }
0xbc: {  	s0 =	sor.u32 s1, s0  }
0xbd: {  	s0 =	sadd.s32 $0x8F2B, s0  }
0xbe: {  	[sflag:s0] =	ssyncadd.remote.s32 $0x1  }
0xbf: {  	_ =	sfence.sel $0xFFFF  }
0xc0: {  	[dreg:$0x0] =	wrdreg $0xFFFFFFFF;
	(pc) =	sbr.abs _section_cstart, $3  }
0xc1: {  	[dreg:$0x1] =	wrdreg $0xFFFFFFFF  }
0xc2: {  	_ =	task.clear_ibuf [dreg:s7], $0x2FFFF;
	_ =	strace $0x9FFFFFFF  }
0xc3: {  	(tm) =	ssettm $0x7FFFFFFF  }
tec
execute0_lowered:
.L_overlay_start_1:
0x0: {  	(tag) =	ssettag $0x1  }
0x1: {  	s5 =	rddreg [dreg:$0x0]  }
0x2: {  	s7 =	rddreg [dreg:$0x1]  }
0x3: {  	s2 =	rddreg [dreg:$0x2]  }
0x4: {  	s0 =	rddreg [dreg:$0x3];
	s4 =	srdreg.scid  }
0x5: {  	s3 =	simm.s32 $0x0;
	s1 =	stileid.u32;
	s16 =	simm.s32 $0x6800  }
0x6: {  	s17 =	simm.s32 $0x1;
	s18 =	simm.s32 $0x2;
	s19 =	simm.s32 $0x2700  }
0x7: {  	s20 =	simm.s32 $0x2780;
	s22 =	simm.s32 $0x0;
	s8 =	smul.u32 $0x290, s1  }
0x8: {  	s6 =	sand.u32 $0x1, s4;
	[smem:$0x7FF] =	sst s3;
	s26 =	smul.u32 $0x278, s1  }
0x9: {  	s30 =	sshll.u32 s1, $0x6;
	s4 =	sshll.u32 s6, $0x4;
	_ =	strace $0x8000004A  }
0xa: {  	s10 =	smul.u32 $0x28A0, s6;
	s6 =	ssub.s32 $0x2, s6;
	s9 =	sor.u32 s1, s4  }
0xb: {  	s4 =	sadd.s32 $0x4800, s5;
	s11 =	smin.u32 s8, $0x2610;
	s13 =	sshrl.u32 s6, $0x1  }
0xc: {  	s28 =	smin.u32 s26, $0x2498;
	s9 =	smul.u32 $0x280, s9;
	s8 =	sadd.s32 s10, s11  }
0xd: {  	s13 =	ssub.s32 s6, s13;
	s29 =	sshll.u32 s28, $0x7;
	s6 =	sor.u32 $0x1C03, s30  }
0xe: {  	s31 =	sshll.u32 s11, $0x7;
	s8 =	sshll.u32 s8, $0x4;
	s15 =	sadd.s32 s29, s2  }
0xf: {  	s21 =	sadd.s32 s31, s2;
	s10 =	smax.u32 s13, $0x1;
	s13 =	simm.s32 $0x1400  }
0x10: {  	s12 =	sadd.s32 s9, s5;
	s14 =	sadd.s32 s8, s5;
	s5 =	sshll.u32 s28, $0x4  }
0x11: {  	s7 =	sadd.s32 s7, s9;
	s11 =	sshrl.u32 s15, $0x3;
	s15 =	simm.s32 $0x2800  }
0x12: {  	s21 =	sshrl.u32 s21, $0x3;
	s5 =	sadd.s32 s4, s5;
	s8 =	sadd.s32 $0x2BA00, s12  }
0x13: {  	s9 =	sadd.s32 $0x30A00, s14;
	s12 =	simm.s32 $0x3;
	s14 =	simm.s32 $0x80  }
.LBB2_1:
0x14: {  	[spmem:s11], [sflag:s6] =	dma.local [hbm:s5], $0x2780  }
0x15: {  	_ =	swait.ge [sflag:s12], $0x2780  }
0x16: {  	[sflag:s12] =	ssyncset.done $0x0  }
0x17: {  	[sflag:s12] =	ssyncadd.s32 $0xFFFFD880  }
0x18: {  	[tilespmem:s3], [sflag:$0x3] =	stream.linear.gather [hbm4b:s7+s3], $0x1400, $0x38;
	[tilespmem:$0x1ED00] =	vst v63  }
0x19: {  	_ =	swait.ge [sflag:s12], $0x1400  }
0x1a: {  	[sflag:s12] =	ssyncset.done $0x0  }
0x1b: {  	[sflag:s12] =	ssyncadd.s32 $0xFFFFEC00  }
0x1c: {  	[tilespmem:s13], [sflag:$0x3] =	stream.linear.gather [hbm4b:s8+s3], $0x1400, $0x38;
	[tilespmem:$0x1ED00] =	vst v63  }
0x1d: {  	_ =	swait.ge [sflag:s12], $0x1400  }
0x1e: {  	[sflag:s12] =	ssyncset.done $0x0  }
0x1f: {  	[sflag:s12] =	ssyncadd.s32 $0xFFFFEC00  }
0x20: {  	[bflag:$0x0] =	sbarrier.arrive $0xFFFF  }
0x21: {  	[tilespmem:s15], [sflag:$0x1] =	stream.indirect.gather [hbm4b:s4+s14], $0x80, s3, s14, $0xb8;
	[tilespmem:$0x1ED00] =	vst v63  }
0x22: {  	_ = 	snop  }
0x23: {  	[tilespmem:s16], [sflag:$0x2] =	stream.indirect.gather [hbm4b:s4+s14], $0x80, s14, s14, $0xb8;
	[tilespmem:$0x1ED00] =	vst v63  }
0x24: {  	_ =	swait.ge [sflag:s17], $0x4000  }
0x25: {  	[sflag:s17] =	ssyncset.done $0x0  }
0x26: {  	s23 =	simm.s32 $0x1400;
	[sflag:s17] =	ssyncadd.s32 $0xFFFFC000  }
0x27: {  	[spmem:s2] =	stream.indirect.scatter.add.f32 [tilespmem:s15], [sflag:$0x3], $0x80, s23, s14, $0xb8;
	[tilespmem:$0x1ED00] =	vst v63  }
0x28: {  	_ =	swait.ge [sflag:s12], $0x4000  }
0x29: {  	[sflag:s12] =	ssyncset.done $0x0  }
0x2a: {  	s30 =	simm.s32 $0x100;
	[sflag:s12] =	ssyncadd.s32 $0xFFFFC000  }
0x2b: {  	[tilespmem:s15], [sflag:$0x1] =	stream.indirect.gather [hbm4b:s4+s14], $0x80, s30, s14, $0xb8;
	[tilespmem:$0x1ED00] =	vst v63  }
0x2c: {  	_ =	swait.ge [sflag:s18], $0x4000  }
0x2d: {  	[sflag:s18] =	ssyncset.done $0x0  }
0x2e: {  	s31 =	simm.s32 $0x1480;
	[sflag:s18] =	ssyncadd.s32 $0xFFFFC000  }
0x2f: {  	[spmem:s2] =	stream.indirect.scatter.add.f32 [tilespmem:s16], [sflag:$0x3], $0x80, s31, s14, $0xb8;
	[tilespmem:$0x1ED00] =	vst v63  }
0x30: {  	_ =	swait.ge [sflag:s12], $0x4000  }
0x31: {  	[sflag:s12] =	ssyncset.done $0x0  }
0x32: {  	s24 =	simm.s32 $0x180;
	s23 =	simm.s32 $0x400;
	[sflag:s12] =	ssyncadd.s32 $0xFFFFC000  }
.LBB2_2:
0x33: {  	[tilespmem:s16], [sflag:$0x2] =	stream.indirect.gather [hbm4b:s4+s14], $0x80, s24, s14, $0xb8;
	[tilespmem:$0x1ED00] =	vst v63  }
0x34: {  	s24 =	smov.u32 s23  }
0x35: {  	p0 =	sne.s32 s23, $0x4800;
	s23 =	sadd.s32 $0x400, s23;
	_ =	swait.ge [sflag:s17], $0x4000  }
0x36: {  	s24 =	sshra.s32 s24, $0x2;
	[sflag:s17] =	ssyncset.done $0x0  }
0x37: {  	s25 =	sadd.s32 $0x1400, s24;
	[sflag:s17] =	ssyncadd.s32 $0xFFFFC000  }
0x38: {  	[spmem:s2] =	stream.indirect.scatter.add.f32 [tilespmem:s15], [sflag:$0x3], $0x80, s25, s14, $0xb8;
	[tilespmem:$0x1ED00] =	vst v63  }
0x39: {  	_ =	swait.ge [sflag:s12], $0x4000  }
0x3a: {  	[sflag:s12] =	ssyncset.done $0x0  }
0x3b: {  	s25 =	sadd.s32 $0x100, s24;
	[sflag:s12] =	ssyncadd.s32 $0xFFFFC000  }
0x3c: {  	[tilespmem:s15], [sflag:$0x1] =	stream.indirect.gather [hbm4b:s4+s14], $0x80, s25, s14, $0xb8;
	[tilespmem:$0x1ED00] =	vst v63  }
0x3d: {  	_ =	swait.ge [sflag:s18], $0x4000  }
0x3e: {  	[sflag:s18] =	ssyncset.done $0x0  }
.Ltmp0:
0x3f: {  	s25 =	sadd.s32 $0x1480, s24;
	[sflag:s18] =	ssyncadd.s32 $0xFFFFC000;
	(pc) =	sbr.rel @p0 .LBB2_2-.Ltmp0, $4  }
0x40: {  	[spmem:s2] =	stream.indirect.scatter.add.f32 [tilespmem:s16], [sflag:$0x3], $0x80, s25, s14, $0xb8;
	[tilespmem:$0x1ED00] =	vst v63  }
0x41: {  	_ =	swait.ge [sflag:s12], $0x4000  }
0x42: {  	[sflag:s12] =	ssyncset.done $0x0  }
0x43: {  	s24 =	sadd.s32 $0x180, s24;
	[sflag:s12] =	ssyncadd.s32 $0xFFFFC000  }
0x44: {  	[tilespmem:s16], [sflag:$0x2] =	stream.indirect.gather [hbm4b:s4+s14], $0x80, s24, s14, $0xb8;
	[tilespmem:$0x1ED00] =	vst v63  }
0x45: {  	_ =	swait.ge [sflag:s17], $0x4000  }
0x46: {  	[sflag:s17] =	ssyncset.done $0x0  }
0x47: {  	[sflag:s17] =	ssyncadd.s32 $0xFFFFC000  }
0x48: {  	[spmem:s2] =	stream.indirect.scatter.add.f32 [tilespmem:s15], [sflag:$0x3], $0x80, s19, s14, $0xb8;
	[tilespmem:$0x1ED00] =	vst v63  }
0x49: {  	_ =	swait.ge [sflag:s12], $0x4000  }
0x4a: {  	[sflag:s12] =	ssyncset.done $0x0  }
0x4b: {  	[sflag:s12] =	ssyncadd.s32 $0xFFFFC000  }
0x4c: {  	_ =	swait.ge [sflag:s18], $0x4000  }
0x4d: {  	[sflag:s18] =	ssyncset.done $0x0  }
0x4e: {  	[sflag:s18] =	ssyncadd.s32 $0xFFFFC000  }
0x4f: {  	[spmem:s2] =	stream.indirect.scatter.add.f32 [tilespmem:s16], [sflag:$0x3], $0x80, s20, s14, $0xb8;
	[tilespmem:$0x1ED00] =	vst v63  }
0x50: {  	_ =	swait.ge [sflag:s12], $0x4000  }
0x51: {  	s22 =	sadd.s32 $0x1, s22;
	[sflag:s12] =	ssyncset.done $0x0  }
0x52: {  	p0 =	sne.s32 s22, s10;
	[sflag:s12] =	ssyncadd.s32 $0xFFFFC000  }
.Ltmp1:
0x53: {  	[bflag:$0x0] =	sbarrier.arrive $0xFFFF;
	(pc) =	sbr.rel @p0 .LBB2_1-.Ltmp1, $4  }
0x54: {  	[hbm:s9], [sflag:s6] =	dma.local [spmem:s21], $0x2900  }
0x55: {  	_ =	swait.ge [sflag:s12], $0x2900  }
0x56: {  	[sflag:s12] =	ssyncset.done $0x0  }
0x57: {  	[sflag:s12] =	ssyncadd.s32 $0xFFFFD700  }
0x58: {  	_ =	sfence.sel $0x180000  }
0x59: {  	[bflag:$0x0] =	sbarrier.arrive $0xFFFF  }
0x5a: {  	p0 =	sne.s32 s1, $0x0;
	_ =	strace $0x9000004A  }
0x5b: {  	s0 =	sadd.s32 @!p0 $0x100000, s0;
	[bflag:$0x2] =	sbarrier.arrive $0xFFFF  }
0x5c: {  	[sflag:s0] =	ssyncadd.tile.s32 @!p0 $0x1;
	_ =	shalt  }
.Lfunc_end2:
_tile_overlayer_lowered:
.L_overlay_start_2:
0x5d: {  	(tag) =	ssettag $0x2  }
0x5e: {  	s0 =	rddreg [dreg:$0x0];
	s2 =	stileid.u32  }
0x5f: {  	s1 =	rddreg [dreg:$0x1];
	p0 =	sne.s32 s2, $0x0  }
0x60: {  	s3 =	rddreg [dreg:$0x2];
	[bflag:$0x3] =	sbarrier.arrive $0xFFFF;
	s2 =	simm.s32 @!p0 $0x1C03  }
0x61: {  	[timem:s3], [sflag:s2] =	dma.local @!p0 [hbm:s0], s1  }
0x62: {  	s0 =	simm.s32 @!p0 $0x3  }
0x63: {  	_ =	swait.ge @!p0 [sflag:s0], s1  }
0x64: {  	s1 =	ssub.s32 @!p0 $0x0, s1;
	[sflag:s0] =	ssyncset.done @!p0 $0x0  }
0x65: {  	[sflag:s0] =	ssyncadd.s32 @!p0 s1  }
0x66: {  	[bflag:$0x3] =	sbarrier.arrive $0xFFFF  }
0x67: {  	_ =	shalt  }

// kernel: kernel.18.cloned.1.call-start
scs
__scs_entry_jumppad:
0x0: {  	(pc) =	sbr.rel $0x88, $3  }
0x1: {  	(tag) =	ssettag $0x0;
	lr =	simm.s32 $0x1  }
0x2: {  	[smem:$0x3F8D] =	sst lr;
	_ =	strace $0xD0000000  }
0x3: {  	_ = 	snop  }
0x4: {  	_ = 	snop  }
0x5: {  	_ = 	snop  }
0x6: {  	_ = 	snop  }
0x7: {  	_ = 	snop  }
__scs_overlays_trampoline_lowered:
0x8: {  	[smem:$0x3F9C] =	sst s0  }
0x9: {  	[smem:$0x3F9D] =	sst s1  }
0xa: {  	[smem:$0x3F9E] =	sst s2  }
0xb: {  	[smem:$0x3F9F] =	sst s3  }
0xc: {  	[smem:$0x3FA0] =	sst s4  }
0xd: {  	[smem:$0x3FA1] =	sst s5  }
0xe: {  	[smem:$0x3FA2] =	sst s6  }
0xf: {  	[smem:$0x3FA3] =	sst s7  }
0x10: {  	[smem:$0x3FA4] =	sst s8  }
0x11: {  	[smem:$0x3FA5] =	sst s9;
	s0 =	simm.s32 @!p0 $0x0  }
0x12: {  	s1 =	sld [smem:$0x3F8B];
	s0 =	simm.s32 @p0 $0x1  }
0x13: {  	[smem:$0x3FA6] =	sst s0;
	s0 =	simm.s32 @!p1 $0x0  }
0x14: {  	s2 =	sld [smem:$0x3F8A];
	s0 =	simm.s32 @p1 $0x1  }
0x15: {  	[smem:$0x3FA7] =	sst s0;
	s0 =	simm.s32 @!p2 $0x0  }
0x16: {  	s3 =	sld [smem:$0x3FDB];
	s0 =	simm.s32 @p2 $0x1  }
0x17: {  	s4 =	simm.s32 $0x1BF5;
	[smem:$0x3FA9] =	sst s0  }
0x18: {  	s0 =	sld [smem:$0x3F8C];
	_ =	swait.ge [sflag:s4], $0x0  }
0x19: {  	s7 =	sld [smem:$0x3F8D]  }
0x1a: {  	s8 =	sadd.s32 $0xFFFFE003, lr  }
0x1b: {  	s9 =	sadd.s32 $0xFFFFFEF7, lr;
	s5 =	simm.s32 $0xFFFFFFFF;
	p2 =	slt.u32 s8, $0xFFFFF086  }
0x1c: {  	p1 =	slt.u32 s9, $0xF7A;
	s5 =	simm.s32 @!p2 $0x0  }
0x1d: {  	s5 =	simm.s32 @p1 $0x1;
	p0 =	seq.s32 s7, s2  }
0x1e: {  	s7 =	smul.u32 @!p0 $0xF7A, s2;
	p2 =	seq.s32 @!p0 s5, $0x0  }
0x1f: {  	s9 =	smul.u32 $0xF7A, s1;
	s8 =	simm.s32 @!p0 $0x1BF5;
	p2 =	por !p2, p0  }
0x20: {  	[sflag:s8] =	ssyncset.s32 @!p0 $0xFFFFF086;
	s6 =	sadd.s32 @!p0 s3, s7;
	s7 =	simm.s32 @!p0 $0x108  }
0x21: {  	s3 =	sadd.s32 s3, s9;
	s6 =	sadd.s32 @!p0 $0x88, s6;
	s7 =	simm.s32 @p2 $0x1082  }
0x22: {  	[simem:s7], [sflag:s8] =	dma.local @!p0 [hbm:s6], $0xF7A  }
0x23: {  	s9 =	sor.u32 $0xD0000000, s2;
	s6 =	simm.s32 $0x108;
	_ =	swait.ge @!p0 [sflag:s8], $0x0  }
0x24: {  	s3 =	sadd.s32 $0x88, s3;
	s6 =	simm.s32 @!p1 $0x1082;
	[sflag:s4] =	ssyncset.s32 $0xFFFFF086  }
0x25: {  	[simem:s6], [sflag:s4] =	dma.local [hbm:s3], $0xF7A  }
0x26: {  	[smem:$0x3F8D] =	sst s1;
	(tag) =	ssettag s2;
	_ =	strace s9  }
0x27: {  	s1 =	sld [smem:$0x3F9D]  }
0x28: {  	s2 =	sld [smem:$0x3F9E]  }
0x29: {  	s4 =	sld [smem:$0x3FA0]  }
0x2a: {  	p0 =	seq.s32 s5, $0x0;
	s5 =	sld [smem:$0x3FA1]  }
0x2b: {  	s6 =	sld [smem:$0x3FA2]  }
0x2c: {  	s7 =	sld [smem:$0x3FA3]  }
0x2d: {  	s3 =	simm.s32 $0x108;
	s8 =	sld [smem:$0x3FA4]  }
0x2e: {  	s3 =	simm.s32 @!p0 $0x1082;
	s9 =	sld [smem:$0x3FA5]  }
0x2f: {  	lr =	sadd.s32 s0, s3;
	s0 =	sld [smem:$0x3F9C]  }
0x30: {  	s3 =	sld [smem:$0x3F9F]  }
0x31: {  	[smem:$0x3FA8] =	sst s10  }
0x32: {  	s10 =	sld [smem:$0x3FA6];
	_ =	sdelay $0x3  }
0x33: {  	p0 =	seq.s32 s10, $0x1;
	s10 =	sld [smem:$0x3FA8];
	_ =	sdelay $0x3  }
0x34: {  	[smem:$0x3FA8] =	sst s10  }
0x35: {  	s10 =	sld [smem:$0x3FA7];
	_ =	sdelay $0x3  }
0x36: {  	p1 =	seq.s32 s10, $0x1;
	s10 =	sld [smem:$0x3FA8];
	_ =	sdelay $0x3  }
0x37: {  	[smem:$0x3FA8] =	sst s10  }
0x38: {  	s10 =	sld [smem:$0x3FA9]  }
0x39: {  	_ = 	snop;
	(pc) =	sbr.ind lr, $3  }
0x3a: {  	_ = 	snop  }
0x3b: {  	_ = 	snop  }
0x3c: {  	p2 =	seq.s32 s10, $0x1;
	s10 =	sld [smem:$0x3FA8]  }
0x3d: {  	_ =	shalt  }
0x3e: {  	_ =	shalt  }
0x3f: {  	_ =	shalt  }
0x40: {  	_ =	shalt  }
0x41: {  	_ =	shalt  }
0x42: {  	_ =	shalt  }
0x43: {  	_ =	shalt  }
0x44: {  	_ =	shalt  }
0x45: {  	_ =	shalt  }
0x46: {  	_ =	shalt  }
0x47: {  	_ =	shalt  }
0x48: {  	_ =	shalt  }
0x49: {  	_ =	shalt  }
0x4a: {  	_ =	shalt  }
0x4b: {  	_ =	shalt  }
0x4c: {  	_ =	shalt  }
0x4d: {  	_ =	shalt  }
0x4e: {  	_ =	shalt  }
0x4f: {  	_ =	shalt  }
0x50: {  	_ =	shalt  }
0x51: {  	_ =	shalt  }
0x52: {  	_ =	shalt  }
0x53: {  	_ =	shalt  }
0x54: {  	_ =	shalt  }
0x55: {  	_ =	shalt  }
0x56: {  	_ =	shalt  }
0x57: {  	_ =	shalt  }
0x58: {  	_ =	shalt  }
0x59: {  	_ =	shalt  }
0x5a: {  	_ =	shalt  }
0x5b: {  	_ =	shalt  }
0x5c: {  	_ =	shalt  }
0x5d: {  	_ =	shalt  }
0x5e: {  	_ =	shalt  }
0x5f: {  	_ =	shalt  }
0x60: {  	_ =	shalt  }
0x61: {  	_ =	shalt  }
0x62: {  	_ =	shalt  }
0x63: {  	_ =	shalt  }
0x64: {  	_ =	shalt  }
0x65: {  	_ =	shalt  }
0x66: {  	_ =	shalt  }
0x67: {  	_ =	shalt  }
0x68: {  	_ =	shalt  }
0x69: {  	_ =	shalt  }
0x6a: {  	_ =	shalt  }
0x6b: {  	_ =	shalt  }
0x6c: {  	_ =	shalt  }
0x6d: {  	_ =	shalt  }
0x6e: {  	_ =	shalt  }
0x6f: {  	_ =	shalt  }
0x70: {  	_ =	shalt  }
0x71: {  	_ =	shalt  }
0x72: {  	_ =	shalt  }
0x73: {  	_ =	shalt  }
0x74: {  	_ =	shalt  }
0x75: {  	_ =	shalt  }
0x76: {  	_ =	shalt  }
0x77: {  	_ =	shalt  }
0x78: {  	_ =	shalt  }
0x79: {  	_ =	shalt  }
0x7a: {  	_ =	shalt  }
0x7b: {  	_ =	shalt  }
0x7c: {  	_ =	shalt  }
0x7d: {  	_ =	shalt  }
0x7e: {  	_ =	shalt  }
0x7f: {  	_ =	shalt  }
0x80: {  	_ =	shalt  }
0x81: {  	_ =	shalt  }
0x82: {  	_ =	shalt  }
0x83: {  	_ =	shalt  }
0x84: {  	_ =	shalt  }
0x85: {  	_ =	shalt  }
0x86: {  	_ =	shalt  }
0x87: {  	_ =	shalt  }
.Lfunc_end0:
.L_simem_size_0:
called_computation.2_lowered:
.L_overlay_start_0:
0x88: {  	s2 =	sld [smem:$0x3FD9]  }
0x89: {  	s3 =	sld [smem:$0x3FFE];
	_ =	sdelay $0x1  }
0x8a: {  	s1 =	srdreg.scid  }
0x8b: {  	s0 =	sand.u32 $0x1, s1  }
0x8c: {  	s17 =	sshll.u32 s0, $0xA;
	s2 =	sadd.s32 s3, s2  }
0x8d: {  	s2 =	sadd.s32 s2, s17  }
0x8e: {  	[smem:$0x3FB4] =	sst s2  }
0x8f: {  	_ = 	snop  }
0x90: {  	s2 =	sld [smem:$0x3FD0];
	(tm) =	ssettm $0x1  }
0x91: {  	s18 =	sld [smem:$0x3FFB];
	_ =	sdelay $0x3  }
0x92: {  	_ =	strace s18  }
0x93: {  	s3 =	sld [smem:$0x3FFC];
	_ =	sdelay $0x3  }
0x94: {  	_ =	strace s3  }
0x95: {  	s3 =	sld [smem:$0x3FFD];
	_ =	sdelay $0x3  }
0x96: {  	_ =	strace s3  }
0x97: {  	_ =	strace $0x8FFFFFFF  }
0x98: {  	s19 =	sld [smem:$0x3FDB];
	_ =	sdelay $0x1  }
0x99: {  	s4 =	simm.s32 $_scs_section_size  }
0x9a: {  	s5 =	simm.s32 $_size__tile_overlayer_lowered;
	s6 =	simm.s32 $_tile_overlayer_lowered  }
0x9b: {  	s22 =	simm.s32 $0x1BFF;
	s21 =	sshll.u32 s6, $0x1;
	s3 =	sadd.s32 s4, s19  }
0x9c: {  	s7 =	simm.s32 $0x0;
	s20 =	sshll.u32 s5, $0x1;
	s5 =	sadd.s32 s21, s3  }
0x9d: {  	[timem:s7], [sflag:s22] =	dma.local [hbm:s5], s20  }
0x9e: {  	_ =	swait.ge [sflag:s22], s20  }
0x9f: {  	s4 =	ssub.s32 $0x0, s20;
	[sflag:s22] =	ssyncset.done $0x0  }
0xa0: {  	[sflag:s22] =	ssyncadd.s32 s4;
	_ =	sdelay $0x1  }
0xa1: {  	s23 =	simm.s32 $0x1B8B  }
0xa2: {  	_ =	swait.ge [sflag:s23], $0x1  }
0xa3: {  	[sflag:s23] =	ssyncset.done $0x0  }
0xa4: {  	s25 =	simm.s32 $0x1B8E;
	s24 =	sld [smem:$0x3FFE];
	[sflag:s23] =	ssyncadd.s32 $0xFFFFFFFF  }
0xa5: {  	s26 =	simm.s32 $execute0_lowered;
	[smem:$0x3FD2] =	sst s25  }
0xa6: {  	s5 =	sshll.u32 s26, $0x1;
	_ =	strace $0x8000004C;
	[dreg:$0x1] =	wrdreg $0xFFFFFFFF  }
0xa7: {  	s28 =	simm.s32 $_size_execute0_lowered;
	s3 =	sadd.s32 s3, s5;
	[dreg:$0x0] =	wrdreg $0x0  }
0xa8: {  	s5 =	sshll.u32 s28, $0x1;
	[dreg:$0x2] =	wrdreg s3  }
0xa9: {  	[dreg:$0x3] =	wrdreg s5  }
0xaa: {  	[dreg:$0x4] =	wrdreg $0xC0  }
0xab: {  	_ =	task [dreg:s7], $0x5FFFF  }
0xac: {  	[dreg:$0x1] =	wrdreg $0xFFFFFFFF  }
0xad: {  	[dreg:$0x0] =	wrdreg $0x60  }
0xae: {  	[dreg:$0x2] =	wrdreg s24  }
0xaf: {  	[dreg:$0x3] =	wrdreg s2  }
0xb0: {  	[dreg:$0x4] =	wrdreg $0xA8000  }
0xb1: {  	[dreg:$0x5] =	wrdreg $0x9  }
0xb2: {  	_ =	task.clear_ibuf [dreg:s7], $0x6FFFF;
	_ =	strace $0x9000004C  }
0xb3: {  	s29 =	simm.s32 $0x9;
	_ =	strace $0x8000004E  }
0xb4: {  	_ =	swait.ge [sflag:s29], $0x1  }
0xb5: {  	[sflag:s29] =	ssyncadd.s32 $0xFFFFFFFF  }
0xb6: {  	_ =	strace $0x9000004E  }
0xb7: {  	_ =	sfence  }
0xb8: {  	s30 =	sld [smem:$0x0];
	_ =	sdelay $0x2  }
0xb9: {  	s31 =	sshll.u32 s1, $0xD;
	s1 =	sshrl.u32 s1, $0x2  }
0xba: {  	s3 =	sand.u32 $0x4000, s31;
	s1 =	sadd.s32 s1, s30  }
0xbb: {  	s0 =	sor.u32 s3, s0;
	s1 =	sshll.u32 s1, $0x11  }
0xbc: {  	s0 =	sor.u32 s1, s0  }
0xbd: {  	s0 =	sadd.s32 $0x8F2B, s0  }
0xbe: {  	[sflag:s0] =	ssyncadd.remote.s32 $0x1  }
0xbf: {  	_ =	sfence.sel $0xFFFF  }
0xc0: {  	[dreg:$0x0] =	wrdreg $0xFFFFFFFF;
	(pc) =	sbr.abs _section_cstart, $3  }
0xc1: {  	[dreg:$0x1] =	wrdreg $0xFFFFFFFF  }
0xc2: {  	_ =	task.clear_ibuf [dreg:s7], $0x2FFFF;
	_ =	strace $0x9FFFFFFF  }
0xc3: {  	(tm) =	ssettm $0x7FFFFFFF  }
tec
execute0_lowered:
.L_overlay_start_1:
0x0: {  	(tag) =	ssettag $0x1  }
0x1: {  	s5 =	rddreg [dreg:$0x0]  }
0x2: {  	s7 =	rddreg [dreg:$0x1]  }
0x3: {  	s2 =	rddreg [dreg:$0x2]  }
0x4: {  	s0 =	rddreg [dreg:$0x3];
	s4 =	srdreg.scid  }
0x5: {  	s3 =	simm.s32 $0x0;
	s1 =	stileid.u32;
	s16 =	simm.s32 $0x6800  }
0x6: {  	s17 =	simm.s32 $0x1;
	s18 =	simm.s32 $0x2;
	s19 =	simm.s32 $0x2700  }
0x7: {  	s20 =	simm.s32 $0x2780;
	s22 =	simm.s32 $0x0;
	s8 =	smul.u32 $0x290, s1  }
0x8: {  	s6 =	sand.u32 $0x1, s4;
	[smem:$0x7FF] =	sst s3;
	s26 =	smul.u32 $0x278, s1  }
0x9: {  	s30 =	sshll.u32 s1, $0x6;
	s4 =	sshll.u32 s6, $0x4;
	_ =	strace $0x8000004D  }
0xa: {  	s10 =	smul.u32 $0x28A0, s6;
	s6 =	ssub.s32 $0x2, s6;
	s9 =	sor.u32 s1, s4  }
0xb: {  	s4 =	sadd.s32 $0x4800, s5;
	s11 =	smin.u32 s8, $0x2610;
	s13 =	sshrl.u32 s6, $0x1  }
0xc: {  	s28 =	smin.u32 s26, $0x2498;
	s9 =	smul.u32 $0x280, s9;
	s8 =	sadd.s32 s10, s11  }
0xd: {  	s13 =	ssub.s32 s6, s13;
	s29 =	sshll.u32 s28, $0x7;
	s6 =	sor.u32 $0x1C03, s30  }
0xe: {  	s31 =	sshll.u32 s11, $0x7;
	s8 =	sshll.u32 s8, $0x4;
	s15 =	sadd.s32 s29, s2  }
0xf: {  	s21 =	sadd.s32 s31, s2;
	s10 =	smax.u32 s13, $0x1;
	s13 =	simm.s32 $0x1400  }
0x10: {  	s12 =	sadd.s32 s9, s5;
	s14 =	sadd.s32 s8, s5;
	s5 =	sshll.u32 s28, $0x4  }
0x11: {  	s7 =	sadd.s32 s7, s9;
	s11 =	sshrl.u32 s15, $0x3;
	s15 =	simm.s32 $0x2800  }
0x12: {  	s21 =	sshrl.u32 s21, $0x3;
	s5 =	sadd.s32 s4, s5;
	s8 =	sadd.s32 $0x2BA00, s12  }
0x13: {  	s9 =	sadd.s32 $0x30A00, s14;
	s12 =	simm.s32 $0x3;
	s14 =	simm.s32 $0x80  }
.LBB2_1:
0x14: {  	[spmem:s11], [sflag:s6] =	dma.local [hbm:s5], $0x2780  }
0x15: {  	_ =	swait.ge [sflag:s12], $0x2780  }
0x16: {  	[sflag:s12] =	ssyncset.done $0x0  }
0x17: {  	[sflag:s12] =	ssyncadd.s32 $0xFFFFD880  }
0x18: {  	[tilespmem:s3], [sflag:$0x3] =	stream.linear.gather [hbm4b:s7+s3], $0x1400, $0x38;
	[tilespmem:$0x1ED00] =	vst v63  }
0x19: {  	_ =	swait.ge [sflag:s12], $0x1400  }
0x1a: {  	[sflag:s12] =	ssyncset.done $0x0  }
0x1b: {  	[sflag:s12] =	ssyncadd.s32 $0xFFFFEC00  }
0x1c: {  	[tilespmem:s13], [sflag:$0x3] =	stream.linear.gather [hbm4b:s8+s3], $0x1400, $0x38;
	[tilespmem:$0x1ED00] =	vst v63  }
0x1d: {  	_ =	swait.ge [sflag:s12], $0x1400  }
0x1e: {  	[sflag:s12] =	ssyncset.done $0x0  }
0x1f: {  	[sflag:s12] =	ssyncadd.s32 $0xFFFFEC00  }
0x20: {  	[bflag:$0x0] =	sbarrier.arrive $0xFFFF  }
0x21: {  	[tilespmem:s15], [sflag:$0x1] =	stream.indirect.gather [hbm4b:s4+s14], $0x80, s3, s14, $0xb8;
	[tilespmem:$0x1ED00] =	vst v63  }
0x22: {  	_ = 	snop  }
0x23: {  	[tilespmem:s16], [sflag:$0x2] =	stream.indirect.gather [hbm4b:s4+s14], $0x80, s14, s14, $0xb8;
	[tilespmem:$0x1ED00] =	vst v63  }
0x24: {  	_ =	swait.ge [sflag:s17], $0x4000  }
0x25: {  	[sflag:s17] =	ssyncset.done $0x0  }
0x26: {  	s23 =	simm.s32 $0x1400;
	[sflag:s17] =	ssyncadd.s32 $0xFFFFC000  }
0x27: {  	[spmem:s2] =	stream.indirect.scatter.add.f32 [tilespmem:s15], [sflag:$0x3], $0x80, s23, s14, $0xb8;
	[tilespmem:$0x1ED00] =	vst v63  }
0x28: {  	_ =	swait.ge [sflag:s12], $0x4000  }
0x29: {  	[sflag:s12] =	ssyncset.done $0x0  }
0x2a: {  	s30 =	simm.s32 $0x100;
	[sflag:s12] =	ssyncadd.s32 $0xFFFFC000  }
0x2b: {  	[tilespmem:s15], [sflag:$0x1] =	stream.indirect.gather [hbm4b:s4+s14], $0x80, s30, s14, $0xb8;
	[tilespmem:$0x1ED00] =	vst v63  }
0x2c: {  	_ =	swait.ge [sflag:s18], $0x4000  }
0x2d: {  	[sflag:s18] =	ssyncset.done $0x0  }
0x2e: {  	s31 =	simm.s32 $0x1480;
	[sflag:s18] =	ssyncadd.s32 $0xFFFFC000  }
0x2f: {  	[spmem:s2] =	stream.indirect.scatter.add.f32 [tilespmem:s16], [sflag:$0x3], $0x80, s31, s14, $0xb8;
	[tilespmem:$0x1ED00] =	vst v63  }
0x30: {  	_ =	swait.ge [sflag:s12], $0x4000  }
0x31: {  	[sflag:s12] =	ssyncset.done $0x0  }
0x32: {  	s24 =	simm.s32 $0x180;
	s23 =	simm.s32 $0x400;
	[sflag:s12] =	ssyncadd.s32 $0xFFFFC000  }
.LBB2_2:
0x33: {  	[tilespmem:s16], [sflag:$0x2] =	stream.indirect.gather [hbm4b:s4+s14], $0x80, s24, s14, $0xb8;
	[tilespmem:$0x1ED00] =	vst v63  }
0x34: {  	s24 =	smov.u32 s23  }
0x35: {  	p0 =	sne.s32 s23, $0x4800;
	s23 =	sadd.s32 $0x400, s23;
	_ =	swait.ge [sflag:s17], $0x4000  }
0x36: {  	s24 =	sshra.s32 s24, $0x2;
	[sflag:s17] =	ssyncset.done $0x0  }
0x37: {  	s25 =	sadd.s32 $0x1400, s24;
	[sflag:s17] =	ssyncadd.s32 $0xFFFFC000  }
0x38: {  	[spmem:s2] =	stream.indirect.scatter.add.f32 [tilespmem:s15], [sflag:$0x3], $0x80, s25, s14, $0xb8;
	[tilespmem:$0x1ED00] =	vst v63  }
0x39: {  	_ =	swait.ge [sflag:s12], $0x4000  }
0x3a: {  	[sflag:s12] =	ssyncset.done $0x0  }
0x3b: {  	s25 =	sadd.s32 $0x100, s24;
	[sflag:s12] =	ssyncadd.s32 $0xFFFFC000  }
0x3c: {  	[tilespmem:s15], [sflag:$0x1] =	stream.indirect.gather [hbm4b:s4+s14], $0x80, s25, s14, $0xb8;
	[tilespmem:$0x1ED00] =	vst v63  }
0x3d: {  	_ =	swait.ge [sflag:s18], $0x4000  }
0x3e: {  	[sflag:s18] =	ssyncset.done $0x0  }
.Ltmp0:
0x3f: {  	s25 =	sadd.s32 $0x1480, s24;
	[sflag:s18] =	ssyncadd.s32 $0xFFFFC000;
	(pc) =	sbr.rel @p0 .LBB2_2-.Ltmp0, $4  }
0x40: {  	[spmem:s2] =	stream.indirect.scatter.add.f32 [tilespmem:s16], [sflag:$0x3], $0x80, s25, s14, $0xb8;
	[tilespmem:$0x1ED00] =	vst v63  }
0x41: {  	_ =	swait.ge [sflag:s12], $0x4000  }
0x42: {  	[sflag:s12] =	ssyncset.done $0x0  }
0x43: {  	s24 =	sadd.s32 $0x180, s24;
	[sflag:s12] =	ssyncadd.s32 $0xFFFFC000  }
0x44: {  	[tilespmem:s16], [sflag:$0x2] =	stream.indirect.gather [hbm4b:s4+s14], $0x80, s24, s14, $0xb8;
	[tilespmem:$0x1ED00] =	vst v63  }
0x45: {  	_ =	swait.ge [sflag:s17], $0x4000  }
0x46: {  	[sflag:s17] =	ssyncset.done $0x0  }
0x47: {  	[sflag:s17] =	ssyncadd.s32 $0xFFFFC000  }
0x48: {  	[spmem:s2] =	stream.indirect.scatter.add.f32 [tilespmem:s15], [sflag:$0x3], $0x80, s19, s14, $0xb8;
	[tilespmem:$0x1ED00] =	vst v63  }
0x49: {  	_ =	swait.ge [sflag:s12], $0x4000  }
0x4a: {  	[sflag:s12] =	ssyncset.done $0x0  }
0x4b: {  	[sflag:s12] =	ssyncadd.s32 $0xFFFFC000  }
0x4c: {  	_ =	swait.ge [sflag:s18], $0x4000  }
0x4d: {  	[sflag:s18] =	ssyncset.done $0x0  }
0x4e: {  	[sflag:s18] =	ssyncadd.s32 $0xFFFFC000  }
0x4f: {  	[spmem:s2] =	stream.indirect.scatter.add.f32 [tilespmem:s16], [sflag:$0x3], $0x80, s20, s14, $0xb8;
	[tilespmem:$0x1ED00] =	vst v63  }
0x50: {  	_ =	swait.ge [sflag:s12], $0x4000  }
0x51: {  	s22 =	sadd.s32 $0x1, s22;
	[sflag:s12] =	ssyncset.done $0x0  }
0x52: {  	p0 =	sne.s32 s22, s10;
	[sflag:s12] =	ssyncadd.s32 $0xFFFFC000  }
.Ltmp1:
0x53: {  	[bflag:$0x0] =	sbarrier.arrive $0xFFFF;
	(pc) =	sbr.rel @p0 .LBB2_1-.Ltmp1, $4  }
0x54: {  	[hbm:s9], [sflag:s6] =	dma.local [spmem:s21], $0x2900  }
0x55: {  	_ =	swait.ge [sflag:s12], $0x2900  }
0x56: {  	[sflag:s12] =	ssyncset.done $0x0  }
0x57: {  	[sflag:s12] =	ssyncadd.s32 $0xFFFFD700  }
0x58: {  	_ =	sfence.sel $0x180000  }
0x59: {  	[bflag:$0x0] =	sbarrier.arrive $0xFFFF  }
0x5a: {  	p0 =	sne.s32 s1, $0x0;
	_ =	strace $0x9000004D  }
0x5b: {  	s0 =	sadd.s32 @!p0 $0x100000, s0;
	[bflag:$0x2] =	sbarrier.arrive $0xFFFF  }
0x5c: {  	[sflag:s0] =	ssyncadd.tile.s32 @!p0 $0x1;
	_ =	shalt  }
.Lfunc_end2:
_tile_overlayer_lowered:
.L_overlay_start_2:
0x5d: {  	(tag) =	ssettag $0x2  }
0x5e: {  	s0 =	rddreg [dreg:$0x0];
	s2 =	stileid.u32  }
0x5f: {  	s1 =	rddreg [dreg:$0x1];
	p0 =	sne.s32 s2, $0x0  }
0x60: {  	s3 =	rddreg [dreg:$0x2];
	[bflag:$0x3] =	sbarrier.arrive $0xFFFF;
	s2 =	simm.s32 @!p0 $0x1C03  }
0x61: {  	[timem:s3], [sflag:s2] =	dma.local @!p0 [hbm:s0], s1  }
0x62: {  	s0 =	simm.s32 @!p0 $0x3  }
0x63: {  	_ =	swait.ge @!p0 [sflag:s0], s1  }
0x64: {  	s1 =	ssub.s32 @!p0 $0x0, s1;
	[sflag:s0] =	ssyncset.done @!p0 $0x0  }
0x65: {  	[sflag:s0] =	ssyncadd.s32 @!p0 s1  }
0x66: {  	[bflag:$0x3] =	sbarrier.arrive $0xFFFF  }
0x67: {  	_ =	shalt  }

</sc_bundles>
